<compile_context>
chip_gen: v7x
topology: tpu7x:2x2x1
jax: 0.10.2.dev20260603
libtpu: 0.0.44.dev20260713+nightly
codegen_flags: <defaults>
</compile_context>

<pallas_src>
import functools

import jax
import jax.numpy as jnp
from jax import lax
from jax.experimental import pallas as pl
from jax.experimental.pallas import tpu as pltpu
from jax.experimental.pallas import tpu_sc as plsc

KCONST = 10.0
NSEG = 1024
TOTAL = 32768
NS = 16
L = 16
CHUNK = TOTAL // NS
NVEC = CHUNK // L
UNROLL = 4
NOUTER = NVEC // UNROLL
SEG_PER_TILE = NSEG // NS
LN2 = 0.6931471805599453


def _sigmoid(z):
    t = jnp.exp(-jnp.abs(z))
    return jnp.where(z >= 0.0, 1.0 / (1.0 + t), t / (1.0 + t))


def _log(x):
    bits = lax.bitcast_convert_type(x, jnp.int32)
    e = jnp.right_shift(bits, 23) - 127
    m = lax.bitcast_convert_type(
        jnp.bitwise_or(jnp.bitwise_and(bits, 0x007FFFFF), 0x3F800000),
        jnp.float32)
    big = m > 1.4142135
    m = jnp.where(big, m * 0.5, m)
    e = jnp.where(big, e + 1, e)
    t = (m - 1.0) / (m + 1.0)
    t2 = t * t
    atanh2 = t * (2.0 + t2 * (0.66666667 + t2 * (0.4 + t2 * 0.28571429)))
    return e.astype(jnp.float32) * LN2 + atanh2


def _sc_body(vt_hbm, idx_hbm, out_hbm,
             chunk_v, idx_v, e0, s0, e1, s1, sh0, sh1, red, outv, sem):
    sid = lax.axis_index("s")
    base = sid * CHUNK

    h0 = pltpu.async_copy(vt_hbm.at[pl.ds(base, CHUNK)],
                          chunk_v.at[pl.ds(0, CHUNK)], sem)
    h1 = pltpu.async_copy(vt_hbm.at[pl.ds(TOTAL + base, CHUNK)],
                          chunk_v.at[pl.ds(CHUNK, CHUNK)], sem)
    h2 = pltpu.async_copy(vt_hbm.at[pl.ds(2 * TOTAL + base, CHUNK)],
                          chunk_v.at[pl.ds(2 * CHUNK, CHUNK)], sem)
    h3 = pltpu.async_copy(idx_hbm.at[pl.ds(base, CHUNK)],
                          idx_v.at[pl.ds(0, CHUNK)], sem)

    idx_v[pl.ds(CHUNK, L)] = jnp.full((L,), NSEG, jnp.int32)
    zf = jnp.zeros((L,), jnp.float32)

    def zero_body(i, _):
        o = i * (4 * L)
        for j in range(4):
            e0[pl.ds(o + j * L, L)] = zf
            s0[pl.ds(o + j * L, L)] = zf
            e1[pl.ds(o + j * L, L)] = zf
            s1[pl.ds(o + j * L, L)] = zf
        return 0

    lax.fori_loop(0, NSEG // (4 * L), zero_body, 0)
    h0.wait()
    h1.wait()
    h2.wait()
    h3.wait()

    last = jnp.full((L,), L - 1, jnp.int32)

    def main_body(i, carry):
        c0, c1 = carry
        ob = i * (UNROLL * L)
        ids_l, nxt_l, pc0_l, pc1_l = [], [], [], []
        for j in range(UNROLL):
            off = ob + j * L
            ids_l.append(idx_v[pl.ds(off, L)])
            nxt_l.append(idx_v[pl.ds(off + 1, L)])
            a0 = chunk_v[pl.ds(off, L)]
            a1 = (chunk_v[pl.ds(CHUNK + off, L)]
                  + chunk_v[pl.ds(2 * CHUNK + off, L)])
            pc0_l.append(plsc.cumsum(a0))
            pc1_l.append(plsc.cumsum(a1))
        p0_l, p1_l = [], []
        for j in range(UNROLL):
            p0_l.append(pc0_l[j] + c0)
            p1_l.append(pc1_l[j] + c1)
            c0 = c0 + pc0_l[j][last]
            c1 = c1 + pc1_l[j][last]
        for j in range(UNROLL):
            endm = ids_l[j] != nxt_l[j]
            plsc.store_scatter(e0, [ids_l[j]], p0_l[j], mask=endm)
            plsc.store_scatter(s0, [nxt_l[j]], p0_l[j], mask=endm)
            plsc.store_scatter(e1, [ids_l[j]], p1_l[j], mask=endm)
            plsc.store_scatter(s1, [nxt_l[j]], p1_l[j], mask=endm)
        return (c0, c1)

    lax.fori_loop(0, NOUTER, main_body,
                  (jnp.zeros((L,), jnp.float32), jnp.zeros((L,), jnp.float32)))

    def sub_body(i, _):
        o = i * (2 * L)
        for j in range(2):
            oo = o + j * L
            e0[pl.ds(oo, L)] = e0[pl.ds(oo, L)] - s0[pl.ds(oo, L)]
            e1[pl.ds(oo, L)] = e1[pl.ds(oo, L)] - s1[pl.ds(oo, L)]
        return 0

    lax.fori_loop(0, NSEG // (2 * L), sub_body, 0)
    g0 = pltpu.async_copy(e0, sh0.at[pl.ds(sid * NSEG, NSEG)], sem)
    g1 = pltpu.async_copy(e1, sh1.at[pl.ds(sid * NSEG, NSEG)], sem)
    g0.wait()
    g1.wait()
    plsc.subcore_barrier()

    seg0 = sid * SEG_PER_TILE

    def red_start(k, _):
        pltpu.async_copy(
            sh0.at[pl.ds(k * NSEG + seg0, SEG_PER_TILE)],
            red.at[pl.ds(k * SEG_PER_TILE, SEG_PER_TILE)], sem)
        pltpu.async_copy(
            sh1.at[pl.ds(k * NSEG + seg0, SEG_PER_TILE)],
            red.at[pl.ds(NSEG + k * SEG_PER_TILE, SEG_PER_TILE)], sem)
        return 0

    lax.fori_loop(0, NS, red_start, 0)

    def red_wait(k, _):
        pltpu.make_async_copy(
            sh0.at[pl.ds(k * NSEG + seg0, SEG_PER_TILE)],
            red.at[pl.ds(k * SEG_PER_TILE, SEG_PER_TILE)], sem).wait()
        pltpu.make_async_copy(
            sh1.at[pl.ds(k * NSEG + seg0, SEG_PER_TILE)],
            red.at[pl.ds(NSEG + k * SEG_PER_TILE, SEG_PER_TILE)], sem).wait()
        return 0

    lax.fori_loop(0, NS, red_wait, 0)

    for j in range(SEG_PER_TILE // L):
        t0 = [red[pl.ds(k * SEG_PER_TILE + j * L, L)] for k in range(NS)]
        t1 = [red[pl.ds(NSEG + k * SEG_PER_TILE + j * L, L)]
              for k in range(NS)]
        while len(t0) > 1:
            t0 = [t0[k] + t0[k + 1] for k in range(0, len(t0), 2)]
            t1 = [t1[k] + t1[k + 1] for k in range(0, len(t1), 2)]
        l1 = _log(_sigmoid(KCONST * (1.0 - t1[0])) + 1e-10)
        l0 = _log(_sigmoid(KCONST * (5.0 - t0[0])) + 1e-10)
        outv[pl.ds(j * L, L)] = l1
        outv[pl.ds(SEG_PER_TILE + j * L, L)] = l0
    pltpu.sync_copy(outv.at[pl.ds(0, SEG_PER_TILE)],
                    out_hbm.at[0, pl.ds(seg0, SEG_PER_TILE)])
    pltpu.sync_copy(outv.at[pl.ds(SEG_PER_TILE, SEG_PER_TILE)],
                    out_hbm.at[1, pl.ds(seg0, SEG_PER_TILE)])


_sc_run = functools.partial(
    pl.kernel,
    out_type=jax.ShapeDtypeStruct((2, NSEG), jnp.float32),
    mesh=plsc.VectorSubcoreMesh(core_axis_name="c", subcore_axis_name="s",
                                num_cores=1),
    compiler_params=pltpu.CompilerParams(needs_layout_passes=False),
    scratch_types=[
        pltpu.VMEM((3 * CHUNK,), jnp.float32),
        pltpu.VMEM((L + CHUNK,), jnp.int32),
        pltpu.VMEM((NSEG,), jnp.float32),
        pltpu.VMEM((NSEG + 8,), jnp.float32),
        pltpu.VMEM((NSEG,), jnp.float32),
        pltpu.VMEM((NSEG + 8,), jnp.float32),
        pltpu.VMEM_SHARED((NS * NSEG,), jnp.float32),
        pltpu.VMEM_SHARED((NS * NSEG,), jnp.float32),
        pltpu.VMEM((2 * NS * SEG_PER_TILE,), jnp.float32),
        pltpu.VMEM((2 * SEG_PER_TILE,), jnp.float32),
        pltpu.SemaphoreType.DMA,
    ],
)(_sc_body)


def kernel(sub_logits, original_indices):
    vt = sub_logits.T.reshape(-1)
    out2 = _sc_run(vt, original_indices)
    return out2.T

# --- scband reference (transcript-rebuilt; emitter-appended) ---
"""Pipeline reference for scband-differentiable-aggregation-test-6330781794349 (READ-ONLY COPY).

The authoritative reference and input builder live on the scoring server;
editing this copy changes nothing except your own understanding.
"""

import jax, jax.numpy as jnp
import numpy as np

K = 10.0
NUM_SEGMENTS = 1024
TOTAL = 32768


def setup_inputs(seed: int = 0) -> dict:
    key = jax.random.key(seed)
    k1, k2 = jax.random.split(key)
    sub_logits = jax.random.normal(k1, (TOTAL, 3), dtype=jnp.float32)
    original_indices = jnp.sort(jax.random.randint(k2, (TOTAL,), 0, NUM_SEGMENTS, dtype=jnp.int32))
    return {"sub_logits": sub_logits, "original_indices": original_indices}


def reference(sub_logits, original_indices):
    # softmax over sub-image logits (computed in the original forward; result unused downstream)
    sub_probs = jax.nn.softmax(sub_logits, axis=-1)
    # Per-original-image segment sums (replaces the python loop over unique indices)
    s1_vals = sub_logits[:, 1] + sub_logits[:, 2]
    s0_vals = sub_logits[:, 0]
    S_1 = jax.ops.segment_sum(s1_vals, original_indices, num_segments=NUM_SEGMENTS)
    S_0 = jax.ops.segment_sum(s0_vals, original_indices, num_segments=NUM_SEGMENTS)
    N = jax.ops.segment_sum(jnp.ones((sub_logits.shape[0],), dtype=jnp.float32), original_indices, num_segments=NUM_SEGMENTS)
    P_decision_1 = jax.nn.sigmoid(K * (1.0 - S_1))
    P_decision_0 = jax.nn.sigmoid(K * (5.0 - S_0))
    logits_1 = jnp.log(P_decision_1 + 1e-10)
    logits_0 = jnp.log(P_decision_0 + 1e-10)
    logits_original = jnp.stack([logits_1, logits_0], axis=1)
    return logits_original

if __name__ == "__main__":
    import jax
    _d = setup_inputs()
    print(jax.jit(kernel)(*tuple(_d.values())))

</pallas_src>

<mosaic_0001>
#map = affine_map<(d0, d1) -> (0)>
#map1 = affine_map<(d0, d1) -> (0, 0)>
module attributes {stable_mosaic.version = 14 : i64} {
  func.func @_sc_body(%arg0: i32, %arg1: i32, %arg2: memref<98304xf32, #tpu.memory_space<hbm>>, %arg3: memref<32768xi32, #tpu.memory_space<hbm>>, %arg4: memref<2x1024xf32, #tpu.memory_space<hbm>>, %arg5: memref<6144xf32, #tpu.memory_space<vmem>>, %arg6: memref<2064xi32, #tpu.memory_space<vmem>>, %arg7: memref<1024xf32, #tpu.memory_space<vmem>>, %arg8: memref<1032xf32, #tpu.memory_space<vmem>>, %arg9: memref<1024xf32, #tpu.memory_space<vmem>>, %arg10: memref<1032xf32, #tpu.memory_space<vmem>>, %arg11: memref<16384xf32, #tpu.memory_space<vmem_shared>>, %arg12: memref<16384xf32, #tpu.memory_space<vmem_shared>>, %arg13: memref<2048xf32, #tpu.memory_space<vmem>>, %arg14: memref<128xf32, #tpu.memory_space<vmem>>, %arg15: memref<!tpu.dma_semaphore, #tpu.memory_space<semaphore_mem>>) attributes {dimension_semantics = [#tpu.dimension_semantics<core_parallel>, #tpu.dimension_semantics<subcore_parallel>], iteration_bounds = array<i64: 1, 16>, scalar_prefetch = 0 : i64, scratch_operands = 11 : i64, tpu.core_type = #tpu.core_type<sc_vector_subcore>, window_params = [{transform_indices = #map}, {transform_indices = #map}, {transform_indices = #map1}]} {
    %mul3A = arith.constant 2048 : i32
    %mul3A_0 = arith.muli %arg1, %mul3A : i32
    %dma_start3A = arith.constant 0 : i32
    %dma_start3A_1 = tpu.memref_slice %arg5[%dma_start3A] : memref<6144xf32, #tpu.memory_space<vmem>> -> memref<2048xf32, #tpu.memory_space<vmem>>
    %dma_start3A_2 = tpu.memref_slice %arg2[%mul3A_0] : memref<98304xf32, #tpu.memory_space<hbm>> -> memref<2048xf32, #tpu.memory_space<hbm>>
    %dma_start3A_3 = arith.constant 0 : i32
    %dma_start3A_4 = tpu.memref_slice %arg5[%dma_start3A_3] : memref<6144xf32, #tpu.memory_space<vmem>> -> memref<2048xf32, #tpu.memory_space<vmem>>
    %dma_start3A_5 = tpu.memref_slice %arg2[%mul3A_0] : memref<98304xf32, #tpu.memory_space<hbm>> -> memref<2048xf32, #tpu.memory_space<hbm>>
    tpu.enqueue_dma source(%dma_start3A_5 : memref<2048xf32, #tpu.memory_space<hbm>>) target(%dma_start3A_4 : memref<2048xf32, #tpu.memory_space<vmem>>) target_semaphore(%arg15 : memref<!tpu.dma_semaphore, #tpu.memory_space<semaphore_mem>>)
    %add3A = arith.constant 32768 : i32
    %add3A_6 = arith.addi %add3A, %mul3A_0 : i32
    %dma_start3A_7 = arith.constant 2048 : i32
    %dma_start3A_8 = tpu.memref_slice %arg5[%dma_start3A_7] : memref<6144xf32, #tpu.memory_space<vmem>> -> memref<2048xf32, #tpu.memory_space<vmem>>
    %dma_start3A_9 = tpu.memref_slice %arg2[%add3A_6] : memref<98304xf32, #tpu.memory_space<hbm>> -> memref<2048xf32, #tpu.memory_space<hbm>>
    %dma_start3A_10 = arith.constant 2048 : i32
    %dma_start3A_11 = tpu.memref_slice %arg5[%dma_start3A_10] : memref<6144xf32, #tpu.memory_space<vmem>> -> memref<2048xf32, #tpu.memory_space<vmem>>
    %dma_start3A_12 = tpu.memref_slice %arg2[%add3A_6] : memref<98304xf32, #tpu.memory_space<hbm>> -> memref<2048xf32, #tpu.memory_space<hbm>>
    tpu.enqueue_dma source(%dma_start3A_12 : memref<2048xf32, #tpu.memory_space<hbm>>) target(%dma_start3A_11 : memref<2048xf32, #tpu.memory_space<vmem>>) target_semaphore(%arg15 : memref<!tpu.dma_semaphore, #tpu.memory_space<semaphore_mem>>)
    %add3A_13 = arith.constant 65536 : i32
    %add3A_14 = arith.addi %add3A_13, %mul3A_0 : i32
    %dma_start3A_15 = arith.constant 4096 : i32
    %dma_start3A_16 = tpu.memref_slice %arg5[%dma_start3A_15] : memref<6144xf32, #tpu.memory_space<vmem>> -> memref<2048xf32, #tpu.memory_space<vmem>>
    %dma_start3A_17 = tpu.memref_slice %arg2[%add3A_14] : memref<98304xf32, #tpu.memory_space<hbm>> -> memref<2048xf32, #tpu.memory_space<hbm>>
    %dma_start3A_18 = arith.constant 4096 : i32
    %dma_start3A_19 = tpu.memref_slice %arg5[%dma_start3A_18] : memref<6144xf32, #tpu.memory_space<vmem>> -> memref<2048xf32, #tpu.memory_space<vmem>>
    %dma_start3A_20 = tpu.memref_slice %arg2[%add3A_14] : memref<98304xf32, #tpu.memory_space<hbm>> -> memref<2048xf32, #tpu.memory_space<hbm>>
    tpu.enqueue_dma source(%dma_start3A_20 : memref<2048xf32, #tpu.memory_space<hbm>>) target(%dma_start3A_19 : memref<2048xf32, #tpu.memory_space<vmem>>) target_semaphore(%arg15 : memref<!tpu.dma_semaphore, #tpu.memory_space<semaphore_mem>>)
    %dma_start3A_21 = arith.constant 0 : i32
    %dma_start3A_22 = tpu.memref_slice %arg6[%dma_start3A_21] : memref<2064xi32, #tpu.memory_space<vmem>> -> memref<2048xi32, #tpu.memory_space<vmem>>
    %dma_start3A_23 = tpu.memref_slice %arg3[%mul3A_0] : memref<32768xi32, #tpu.memory_space<hbm>> -> memref<2048xi32, #tpu.memory_space<hbm>>
    %dma_start3A_24 = arith.constant 0 : i32
    %dma_start3A_25 = tpu.memref_slice %arg6[%dma_start3A_24] : memref<2064xi32, #tpu.memory_space<vmem>> -> memref<2048xi32, #tpu.memory_space<vmem>>
    %dma_start3A_26 = tpu.memref_slice %arg3[%mul3A_0] : memref<32768xi32, #tpu.memory_space<hbm>> -> memref<2048xi32, #tpu.memory_space<hbm>>
    tpu.enqueue_dma source(%dma_start3A_26 : memref<2048xi32, #tpu.memory_space<hbm>>) target(%dma_start3A_25 : memref<2048xi32, #tpu.memory_space<vmem>>) target_semaphore(%arg15 : memref<!tpu.dma_semaphore, #tpu.memory_space<semaphore_mem>>)
    %broadcast_in_dim3A = arith.constant 1024 : i32
    %broadcast_in_dim3A_27 = vector.broadcast %broadcast_in_dim3A : i32 to vector<16xi32>
    %swap3A = arith.constant 2048 : index
    %swap3A_28 = tpu.vector_load %arg6[%swap3A] {strides = array<i32>} : memref<2064xi32, #tpu.memory_space<vmem>>, vector<16xi32>,
    tpu.vector_store %arg6[%swap3A], %broadcast_in_dim3A_27 {strides = array<i32>} : memref<2064xi32, #tpu.memory_space<vmem>>, vector<16xi32>,
    %broadcast_in_dim3A_29 = arith.constant 0.000000e+00 : f32
    %broadcast_in_dim3A_30 = vector.broadcast %broadcast_in_dim3A_29 : f32 to vector<16xf32>
    %scan3A = arith.constant 0 : i32
    %scan3A_31 = arith.constant 0 : i32
    %scan3A_32 = arith.constant 16 : i32
    %scan3A_33 = arith.addi %scan3A_31, %scan3A_32 : i32
    %scan3A_34 = arith.constant 1 : i32
    %scan3A_35 = scf.for %scan3A_1134 = %scan3A_31 to %scan3A_33 step %scan3A_34 iter_args(%scan3A_1135 = %scan3A) -> (i32)  : i32 {
      %mul3A_1136 = arith.constant 64 : i32
      %mul3A_1137 = arith.muli %scan3A_1134, %mul3A_1136 : i32
      %add3A_1138 = arith.constant 0 : i32
      %add3A_1139 = arith.addi %mul3A_1137, %add3A_1138 : i32
      %swap3A_1140 = arith.index_cast %add3A_1139 : i32 to index
      %swap3A_1141 = tpu.vector_load %arg7[%swap3A_1140] {strides = array<i32>} : memref<1024xf32, #tpu.memory_space<vmem>>, vector<16xf32>,
      tpu.vector_store %arg7[%swap3A_1140], %broadcast_in_dim3A_30 {strides = array<i32>} : memref<1024xf32, #tpu.memory_space<vmem>>, vector<16xf32>,
      %add3A_1142 = arith.constant 0 : i32
      %add3A_1143 = arith.addi %mul3A_1137, %add3A_1142 : i32
      %swap3A_1144 = arith.index_cast %add3A_1143 : i32 to index
      %swap3A_1145 = tpu.vector_load %arg8[%swap3A_1144] {strides = array<i32>} : memref<1032xf32, #tpu.memory_space<vmem>>, vector<16xf32>,
      tpu.vector_store %arg8[%swap3A_1144], %broadcast_in_dim3A_30 {strides = array<i32>} : memref<1032xf32, #tpu.memory_space<vmem>>, vector<16xf32>,
      %add3A_1146 = arith.constant 0 : i32
      %add3A_1147 = arith.addi %mul3A_1137, %add3A_1146 : i32
      %swap3A_1148 = arith.index_cast %add3A_1147 : i32 to index
      %swap3A_1149 = tpu.vector_load %arg9[%swap3A_1148] {strides = array<i32>} : memref<1024xf32, #tpu.memory_space<vmem>>, vector<16xf32>,
      tpu.vector_store %arg9[%swap3A_1148], %broadcast_in_dim3A_30 {strides = array<i32>} : memref<1024xf32, #tpu.memory_space<vmem>>, vector<16xf32>,
      %add3A_1150 = arith.constant 0 : i32
      %add3A_1151 = arith.addi %mul3A_1137, %add3A_1150 : i32
      %swap3A_1152 = arith.index_cast %add3A_1151 : i32 to index
      %swap3A_1153 = tpu.vector_load %arg10[%swap3A_1152] {strides = array<i32>} : memref<1032xf32, #tpu.memory_space<vmem>>, vector<16xf32>,
      tpu.vector_store %arg10[%swap3A_1152], %broadcast_in_dim3A_30 {strides = array<i32>} : memref<1032xf32, #tpu.memory_space<vmem>>, vector<16xf32>,
      %add3A_1154 = arith.constant 16 : i32
      %add3A_1155 = arith.addi %mul3A_1137, %add3A_1154 : i32
      %swap3A_1156 = arith.index_cast %add3A_1155 : i32 to index
      %swap3A_1157 = tpu.vector_load %arg7[%swap3A_1156] {strides = array<i32>} : memref<1024xf32, #tpu.memory_space<vmem>>, vector<16xf32>,
      tpu.vector_store %arg7[%swap3A_1156], %broadcast_in_dim3A_30 {strides = array<i32>} : memref<1024xf32, #tpu.memory_space<vmem>>, vector<16xf32>,
      %add3A_1158 = arith.constant 16 : i32
      %add3A_1159 = arith.addi %mul3A_1137, %add3A_1158 : i32
      %swap3A_1160 = arith.index_cast %add3A_1159 : i32 to index
      %swap3A_1161 = tpu.vector_load %arg8[%swap3A_1160] {strides = array<i32>} : memref<1032xf32, #tpu.memory_space<vmem>>, vector<16xf32>,
      tpu.vector_store %arg8[%swap3A_1160], %broadcast_in_dim3A_30 {strides = array<i32>} : memref<1032xf32, #tpu.memory_space<vmem>>, vector<16xf32>,
      %add3A_1162 = arith.constant 16 : i32
      %add3A_1163 = arith.addi %mul3A_1137, %add3A_1162 : i32
      %swap3A_1164 = arith.index_cast %add3A_1163 : i32 to index
      %swap3A_1165 = tpu.vector_load %arg9[%swap3A_1164] {strides = array<i32>} : memref<1024xf32, #tpu.memory_space<vmem>>, vector<16xf32>,
      tpu.vector_store %arg9[%swap3A_1164], %broadcast_in_dim3A_30 {strides = array<i32>} : memref<1024xf32, #tpu.memory_space<vmem>>, vector<16xf32>,
      %add3A_1166 = arith.constant 16 : i32
      %add3A_1167 = arith.addi %mul3A_1137, %add3A_1166 : i32
      %swap3A_1168 = arith.index_cast %add3A_1167 : i32 to index
      %swap3A_1169 = tpu.vector_load %arg10[%swap3A_1168] {strides = array<i32>} : memref<1032xf32, #tpu.memory_space<vmem>>, vector<16xf32>,
      tpu.vector_store %arg10[%swap3A_1168], %broadcast_in_dim3A_30 {strides = array<i32>} : memref<1032xf32, #tpu.memory_space<vmem>>, vector<16xf32>,
      %add3A_1170 = arith.constant 32 : i32
      %add3A_1171 = arith.addi %mul3A_1137, %add3A_1170 : i32
      %swap3A_1172 = arith.index_cast %add3A_1171 : i32 to index
      %swap3A_1173 = tpu.vector_load %arg7[%swap3A_1172] {strides = array<i32>} : memref<1024xf32, #tpu.memory_space<vmem>>, vector<16xf32>,
      tpu.vector_store %arg7[%swap3A_1172], %broadcast_in_dim3A_30 {strides = array<i32>} : memref<1024xf32, #tpu.memory_space<vmem>>, vector<16xf32>,
      %add3A_1174 = arith.constant 32 : i32
      %add3A_1175 = arith.addi %mul3A_1137, %add3A_1174 : i32
      %swap3A_1176 = arith.index_cast %add3A_1175 : i32 to index
      %swap3A_1177 = tpu.vector_load %arg8[%swap3A_1176] {strides = array<i32>} : memref<1032xf32, #tpu.memory_space<vmem>>, vector<16xf32>,
      tpu.vector_store %arg8[%swap3A_1176], %broadcast_in_dim3A_30 {strides = array<i32>} : memref<1032xf32, #tpu.memory_space<vmem>>, vector<16xf32>,
      %add3A_1178 = arith.constant 32 : i32
      %add3A_1179 = arith.addi %mul3A_1137, %add3A_1178 : i32
      %swap3A_1180 = arith.index_cast %add3A_1179 : i32 to index
      %swap3A_1181 = tpu.vector_load %arg9[%swap3A_1180] {strides = array<i32>} : memref<1024xf32, #tpu.memory_space<vmem>>, vector<16xf32>,
      tpu.vector_store %arg9[%swap3A_1180], %broadcast_in_dim3A_30 {strides = array<i32>} : memref<1024xf32, #tpu.memory_space<vmem>>, vector<16xf32>,
      %add3A_1182 = arith.constant 32 : i32
      %add3A_1183 = arith.addi %mul3A_1137, %add3A_1182 : i32
      %swap3A_1184 = arith.index_cast %add3A_1183 : i32 to index
      %swap3A_1185 = tpu.vector_load %arg10[%swap3A_1184] {strides = array<i32>} : memref<1032xf32, #tpu.memory_space<vmem>>, vector<16xf32>,
      tpu.vector_store %arg10[%swap3A_1184], %broadcast_in_dim3A_30 {strides = array<i32>} : memref<1032xf32, #tpu.memory_space<vmem>>, vector<16xf32>,
      %add3A_1186 = arith.constant 48 : i32
      %add3A_1187 = arith.addi %mul3A_1137, %add3A_1186 : i32
      %swap3A_1188 = arith.index_cast %add3A_1187 : i32 to index
      %swap3A_1189 = tpu.vector_load %arg7[%swap3A_1188] {strides = array<i32>} : memref<1024xf32, #tpu.memory_space<vmem>>, vector<16xf32>,
      tpu.vector_store %arg7[%swap3A_1188], %broadcast_in_dim3A_30 {strides = array<i32>} : memref<1024xf32, #tpu.memory_space<vmem>>, vector<16xf32>,
      %add3A_1190 = arith.constant 48 : i32
      %add3A_1191 = arith.addi %mul3A_1137, %add3A_1190 : i32
      %swap3A_1192 = arith.index_cast %add3A_1191 : i32 to index
      %swap3A_1193 = tpu.vector_load %arg8[%swap3A_1192] {strides = array<i32>} : memref<1032xf32, #tpu.memory_space<vmem>>, vector<16xf32>,
      tpu.vector_store %arg8[%swap3A_1192], %broadcast_in_dim3A_30 {strides = array<i32>} : memref<1032xf32, #tpu.memory_space<vmem>>, vector<16xf32>,
      %add3A_1194 = arith.constant 48 : i32
      %add3A_1195 = arith.addi %mul3A_1137, %add3A_1194 : i32
      %swap3A_1196 = arith.index_cast %add3A_1195 : i32 to index
      %swap3A_1197 = tpu.vector_load %arg9[%swap3A_1196] {strides = array<i32>} : memref<1024xf32, #tpu.memory_space<vmem>>, vector<16xf32>,
      tpu.vector_store %arg9[%swap3A_1196], %broadcast_in_dim3A_30 {strides = array<i32>} : memref<1024xf32, #tpu.memory_space<vmem>>, vector<16xf32>,
      %add3A_1198 = arith.constant 48 : i32
      %add3A_1199 = arith.addi %mul3A_1137, %add3A_1198 : i32
      %swap3A_1200 = arith.index_cast %add3A_1199 : i32 to index
      %swap3A_1201 = tpu.vector_load %arg10[%swap3A_1200] {strides = array<i32>} : memref<1032xf32, #tpu.memory_space<vmem>>, vector<16xf32>,
      tpu.vector_store %arg10[%swap3A_1200], %broadcast_in_dim3A_30 {strides = array<i32>} : memref<1032xf32, #tpu.memory_space<vmem>>, vector<16xf32>,
      %scan3A_1202 = arith.constant 0 : i32
      scf.yield %scan3A_1202 : i32
    }
    %scan3A_36 = arith.constant 16 : i32
    %dma_wait3A = arith.constant 0 : i32
    %dma_wait3A_37 = tpu.memref_slice %arg5[%dma_wait3A] : memref<6144xf32, #tpu.memory_space<vmem>> -> memref<2048xf32, #tpu.memory_space<vmem>>
    %dma_wait3A_38 = tpu.memref_slice %arg2[%mul3A_0] : memref<98304xf32, #tpu.memory_space<hbm>> -> memref<2048xf32, #tpu.memory_space<hbm>>
    %dma_wait3A_39 = arith.constant 0 : i32
    %dma_wait3A_40 = tpu.memref_slice %arg5[%dma_wait3A_39] : memref<6144xf32, #tpu.memory_space<vmem>> -> memref<2048xf32, #tpu.memory_space<vmem>>
    %dma_wait3A_41 = tpu.memref_slice %arg2[%mul3A_0] : memref<98304xf32, #tpu.memory_space<hbm>> -> memref<2048xf32, #tpu.memory_space<hbm>>
    tpu.wait_dma2 semaphore(%arg15 : memref<!tpu.dma_semaphore, #tpu.memory_space<semaphore_mem>>) src(%dma_wait3A_41 : memref<2048xf32, #tpu.memory_space<hbm>>) dst(%dma_wait3A_40 : memref<2048xf32, #tpu.memory_space<vmem>>)
    %dma_wait3A_42 = arith.constant 2048 : i32
    %dma_wait3A_43 = tpu.memref_slice %arg5[%dma_wait3A_42] : memref<6144xf32, #tpu.memory_space<vmem>> -> memref<2048xf32, #tpu.memory_space<vmem>>
    %dma_wait3A_44 = tpu.memref_slice %arg2[%add3A_6] : memref<98304xf32, #tpu.memory_space<hbm>> -> memref<2048xf32, #tpu.memory_space<hbm>>
    %dma_wait3A_45 = arith.constant 2048 : i32
    %dma_wait3A_46 = tpu.memref_slice %arg5[%dma_wait3A_45] : memref<6144xf32, #tpu.memory_space<vmem>> -> memref<2048xf32, #tpu.memory_space<vmem>>
    %dma_wait3A_47 = tpu.memref_slice %arg2[%add3A_6] : memref<98304xf32, #tpu.memory_space<hbm>> -> memref<2048xf32, #tpu.memory_space<hbm>>
    tpu.wait_dma2 semaphore(%arg15 : memref<!tpu.dma_semaphore, #tpu.memory_space<semaphore_mem>>) src(%dma_wait3A_47 : memref<2048xf32, #tpu.memory_space<hbm>>) dst(%dma_wait3A_46 : memref<2048xf32, #tpu.memory_space<vmem>>)
    %dma_wait3A_48 = arith.constant 4096 : i32
    %dma_wait3A_49 = tpu.memref_slice %arg5[%dma_wait3A_48] : memref<6144xf32, #tpu.memory_space<vmem>> -> memref<2048xf32, #tpu.memory_space<vmem>>
    %dma_wait3A_50 = tpu.memref_slice %arg2[%add3A_14] : memref<98304xf32, #tpu.memory_space<hbm>> -> memref<2048xf32, #tpu.memory_space<hbm>>
    %dma_wait3A_51 = arith.constant 4096 : i32
    %dma_wait3A_52 = tpu.memref_slice %arg5[%dma_wait3A_51] : memref<6144xf32, #tpu.memory_space<vmem>> -> memref<2048xf32, #tpu.memory_space<vmem>>
    %dma_wait3A_53 = tpu.memref_slice %arg2[%add3A_14] : memref<98304xf32, #tpu.memory_space<hbm>> -> memref<2048xf32, #tpu.memory_space<hbm>>
    tpu.wait_dma2 semaphore(%arg15 : memref<!tpu.dma_semaphore, #tpu.memory_space<semaphore_mem>>) src(%dma_wait3A_53 : memref<2048xf32, #tpu.memory_space<hbm>>) dst(%dma_wait3A_52 : memref<2048xf32, #tpu.memory_space<vmem>>)
    %dma_wait3A_54 = arith.constant 0 : i32
    %dma_wait3A_55 = tpu.memref_slice %arg6[%dma_wait3A_54] : memref<2064xi32, #tpu.memory_space<vmem>> -> memref<2048xi32, #tpu.memory_space<vmem>>
    %dma_wait3A_56 = tpu.memref_slice %arg3[%mul3A_0] : memref<32768xi32, #tpu.memory_space<hbm>> -> memref<2048xi32, #tpu.memory_space<hbm>>
    %dma_wait3A_57 = arith.constant 0 : i32
    %dma_wait3A_58 = tpu.memref_slice %arg6[%dma_wait3A_57] : memref<2064xi32, #tpu.memory_space<vmem>> -> memref<2048xi32, #tpu.memory_space<vmem>>
    %dma_wait3A_59 = tpu.memref_slice %arg3[%mul3A_0] : memref<32768xi32, #tpu.memory_space<hbm>> -> memref<2048xi32, #tpu.memory_space<hbm>>
    tpu.wait_dma2 semaphore(%arg15 : memref<!tpu.dma_semaphore, #tpu.memory_space<semaphore_mem>>) src(%dma_wait3A_59 : memref<2048xi32, #tpu.memory_space<hbm>>) dst(%dma_wait3A_58 : memref<2048xi32, #tpu.memory_space<vmem>>)
    %broadcast_in_dim3A_60 = arith.constant 15 : i32
    %broadcast_in_dim3A_61 = vector.broadcast %broadcast_in_dim3A_60 : i32 to vector<16xi32>
    %broadcast_in_dim3A_62 = arith.constant 0.000000e+00 : f32
    %broadcast_in_dim3A_63 = vector.broadcast %broadcast_in_dim3A_62 : f32 to vector<16xf32>
    %broadcast_in_dim3A_64 = arith.constant 0.000000e+00 : f32
    %broadcast_in_dim3A_65 = vector.broadcast %broadcast_in_dim3A_64 : f32 to vector<16xf32>
    %scan3A_66 = arith.constant 0 : i32
    %scan3A_67 = arith.constant 32 : i32
    %scan3A_68 = arith.addi %scan3A_66, %scan3A_67 : i32
    %scan3A_69 = arith.constant 1 : i32
    %scan3A_70:2 = scf.for %scan3A_1134 = %scan3A_66 to %scan3A_68 step %scan3A_69 iter_args(%scan3A_1135 = %broadcast_in_dim3A_63, %scan3A_1136 = %broadcast_in_dim3A_65) -> (vector<16xf32>, vector<16xf32>)  : i32 {
      %mul3A_1137 = arith.constant 64 : i32
      %mul3A_1138 = arith.muli %scan3A_1134, %mul3A_1137 : i32
      %add3A_1139 = arith.constant 0 : i32
      %add3A_1140 = arith.addi %mul3A_1138, %add3A_1139 : i32
      %get3A_1141 = arith.index_cast %add3A_1140 : i32 to index
      %get3A_1142 = tpu.vector_load %arg6[%get3A_1141] {strides = array<i32>} : memref<2064xi32, #tpu.memory_space<vmem>>, vector<16xi32>,
      %add3A_1143 = arith.constant 1 : i32
      %add3A_1144 = arith.addi %add3A_1140, %add3A_1143 : i32
      %get3A_1145 = arith.index_cast %add3A_1144 : i32 to index
      %get3A_1146 = tpu.vector_load %arg6[%get3A_1145] {strides = array<i32>} : memref<2064xi32, #tpu.memory_space<vmem>>, vector<16xi32>,
      %get3A_1147 = arith.index_cast %add3A_1140 : i32 to index
      %get3A_1148 = tpu.vector_load %arg5[%get3A_1147] {strides = array<i32>} : memref<6144xf32, #tpu.memory_space<vmem>>, vector<16xf32>,
      %add3A_1149 = arith.constant 2048 : i32
      %add3A_1150 = arith.addi %add3A_1149, %add3A_1140 : i32
      %get3A_1151 = arith.index_cast %add3A_1150 : i32 to index
      %get3A_1152 = tpu.vector_load %arg5[%get3A_1151] {strides = array<i32>} : memref<6144xf32, #tpu.memory_space<vmem>>, vector<16xf32>,
      %add3A_1153 = arith.constant 4096 : i32
      %add3A_1154 = arith.addi %add3A_1153, %add3A_1140 : i32
      %get3A_1155 = arith.index_cast %add3A_1154 : i32 to index
      %get3A_1156 = tpu.vector_load %arg5[%get3A_1155] {strides = array<i32>} : memref<6144xf32, #tpu.memory_space<vmem>>, vector<16xf32>,
      %add3A_1157 = arith.addf %get3A_1152, %get3A_1156 : vector<16xf32>
      %broadcast_in_dim3A_1158 = arith.constant true
      %broadcast_in_dim3A_1159 = vector.broadcast %broadcast_in_dim3A_1158 : i1 to vector<16xi1>
      %masked_cumsum3A = tpu.scan <sum>, %get3A_1148 masked %broadcast_in_dim3A_1159 : vector<16xf32>, vector<16xi1> -> vector<16xf32>
      %broadcast_in_dim3A_1160 = arith.constant true
      %broadcast_in_dim3A_1161 = vector.broadcast %broadcast_in_dim3A_1160 : i1 to vector<16xi1>
      %masked_cumsum3A_1162 = tpu.scan <sum>, %add3A_1157 masked %broadcast_in_dim3A_1161 : vector<16xf32>, vector<16xi1> -> vector<16xf32>
      %add3A_1163 = arith.constant 16 : i32
      %add3A_1164 = arith.addi %mul3A_1138, %add3A_1163 : i32
      %get3A_1165 = arith.index_cast %add3A_1164 : i32 to index
      %get3A_1166 = tpu.vector_load %arg6[%get3A_1165] {strides = array<i32>} : memref<2064xi32, #tpu.memory_space<vmem>>, vector<16xi32>,
      %add3A_1167 = arith.constant 1 : i32
      %add3A_1168 = arith.addi %add3A_1164, %add3A_1167 : i32
      %get3A_1169 = arith.index_cast %add3A_1168 : i32 to index
      %get3A_1170 = tpu.vector_load %arg6[%get3A_1169] {strides = array<i32>} : memref<2064xi32, #tpu.memory_space<vmem>>, vector<16xi32>,
      %get3A_1171 = arith.index_cast %add3A_1164 : i32 to index
      %get3A_1172 = tpu.vector_load %arg5[%get3A_1171] {strides = array<i32>} : memref<6144xf32, #tpu.memory_space<vmem>>, vector<16xf32>,
      %add3A_1173 = arith.constant 2048 : i32
      %add3A_1174 = arith.addi %add3A_1173, %add3A_1164 : i32
      %get3A_1175 = arith.index_cast %add3A_1174 : i32 to index
      %get3A_1176 = tpu.vector_load %arg5[%get3A_1175] {strides = array<i32>} : memref<6144xf32, #tpu.memory_space<vmem>>, vector<16xf32>,
      %add3A_1177 = arith.constant 4096 : i32
      %add3A_1178 = arith.addi %add3A_1177, %add3A_1164 : i32
      %get3A_1179 = arith.index_cast %add3A_1178 : i32 to index
      %get3A_1180 = tpu.vector_load %arg5[%get3A_1179] {strides = array<i32>} : memref<6144xf32, #tpu.memory_space<vmem>>, vector<16xf32>,
      %add3A_1181 = arith.addf %get3A_1176, %get3A_1180 : vector<16xf32>
      %broadcast_in_dim3A_1182 = arith.constant true
      %broadcast_in_dim3A_1183 = vector.broadcast %broadcast_in_dim3A_1182 : i1 to vector<16xi1>
      %masked_cumsum3A_1184 = tpu.scan <sum>, %get3A_1172 masked %broadcast_in_dim3A_1183 : vector<16xf32>, vector<16xi1> -> vector<16xf32>
      %broadcast_in_dim3A_1185 = arith.constant true
      %broadcast_in_dim3A_1186 = vector.broadcast %broadcast_in_dim3A_1185 : i1 to vector<16xi1>
      %masked_cumsum3A_1187 = tpu.scan <sum>, %add3A_1181 masked %broadcast_in_dim3A_1186 : vector<16xf32>, vector<16xi1> -> vector<16xf32>
      %add3A_1188 = arith.constant 32 : i32
      %add3A_1189 = arith.addi %mul3A_1138, %add3A_1188 : i32
      %get3A_1190 = arith.index_cast %add3A_1189 : i32 to index
      %get3A_1191 = tpu.vector_load %arg6[%get3A_1190] {strides = array<i32>} : memref<2064xi32, #tpu.memory_space<vmem>>, vector<16xi32>,
      %add3A_1192 = arith.constant 1 : i32
      %add3A_1193 = arith.addi %add3A_1189, %add3A_1192 : i32
      %get3A_1194 = arith.index_cast %add3A_1193 : i32 to index
      %get3A_1195 = tpu.vector_load %arg6[%get3A_1194] {strides = array<i32>} : memref<2064xi32, #tpu.memory_space<vmem>>, vector<16xi32>,
      %get3A_1196 = arith.index_cast %add3A_1189 : i32 to index
      %get3A_1197 = tpu.vector_load %arg5[%get3A_1196] {strides = array<i32>} : memref<6144xf32, #tpu.memory_space<vmem>>, vector<16xf32>,
      %add3A_1198 = arith.constant 2048 : i32
      %add3A_1199 = arith.addi %add3A_1198, %add3A_1189 : i32
      %get3A_1200 = arith.index_cast %add3A_1199 : i32 to index
      %get3A_1201 = tpu.vector_load %arg5[%get3A_1200] {strides = array<i32>} : memref<6144xf32, #tpu.memory_space<vmem>>, vector<16xf32>,
      %add3A_1202 = arith.constant 4096 : i32
      %add3A_1203 = arith.addi %add3A_1202, %add3A_1189 : i32
      %get3A_1204 = arith.index_cast %add3A_1203 : i32 to index
      %get3A_1205 = tpu.vector_load %arg5[%get3A_1204] {strides = array<i32>} : memref<6144xf32, #tpu.memory_space<vmem>>, vector<16xf32>,
      %add3A_1206 = arith.addf %get3A_1201, %get3A_1205 : vector<16xf32>
      %broadcast_in_dim3A_1207 = arith.constant true
      %broadcast_in_dim3A_1208 = vector.broadcast %broadcast_in_dim3A_1207 : i1 to vector<16xi1>
      %masked_cumsum3A_1209 = tpu.scan <sum>, %get3A_1197 masked %broadcast_in_dim3A_1208 : vector<16xf32>, vector<16xi1> -> vector<16xf32>
      %broadcast_in_dim3A_1210 = arith.constant true
      %broadcast_in_dim3A_1211 = vector.broadcast %broadcast_in_dim3A_1210 : i1 to vector<16xi1>
      %masked_cumsum3A_1212 = tpu.scan <sum>, %add3A_1206 masked %broadcast_in_dim3A_1211 : vector<16xf32>, vector<16xi1> -> vector<16xf32>
      %add3A_1213 = arith.constant 48 : i32
      %add3A_1214 = arith.addi %mul3A_1138, %add3A_1213 : i32
      %get3A_1215 = arith.index_cast %add3A_1214 : i32 to index
      %get3A_1216 = tpu.vector_load %arg6[%get3A_1215] {strides = array<i32>} : memref<2064xi32, #tpu.memory_space<vmem>>, vector<16xi32>,
      %add3A_1217 = arith.constant 1 : i32
      %add3A_1218 = arith.addi %add3A_1214, %add3A_1217 : i32
      %get3A_1219 = arith.index_cast %add3A_1218 : i32 to index
      %get3A_1220 = tpu.vector_load %arg6[%get3A_1219] {strides = array<i32>} : memref<2064xi32, #tpu.memory_space<vmem>>, vector<16xi32>,
      %get3A_1221 = arith.index_cast %add3A_1214 : i32 to index
      %get3A_1222 = tpu.vector_load %arg5[%get3A_1221] {strides = array<i32>} : memref<6144xf32, #tpu.memory_space<vmem>>, vector<16xf32>,
      %add3A_1223 = arith.constant 2048 : i32
      %add3A_1224 = arith.addi %add3A_1223, %add3A_1214 : i32
      %get3A_1225 = arith.index_cast %add3A_1224 : i32 to index
      %get3A_1226 = tpu.vector_load %arg5[%get3A_1225] {strides = array<i32>} : memref<6144xf32, #tpu.memory_space<vmem>>, vector<16xf32>,
      %add3A_1227 = arith.constant 4096 : i32
      %add3A_1228 = arith.addi %add3A_1227, %add3A_1214 : i32
      %get3A_1229 = arith.index_cast %add3A_1228 : i32 to index
      %get3A_1230 = tpu.vector_load %arg5[%get3A_1229] {strides = array<i32>} : memref<6144xf32, #tpu.memory_space<vmem>>, vector<16xf32>,
      %add3A_1231 = arith.addf %get3A_1226, %get3A_1230 : vector<16xf32>
      %broadcast_in_dim3A_1232 = arith.constant true
      %broadcast_in_dim3A_1233 = vector.broadcast %broadcast_in_dim3A_1232 : i1 to vector<16xi1>
      %masked_cumsum3A_1234 = tpu.scan <sum>, %get3A_1222 masked %broadcast_in_dim3A_1233 : vector<16xf32>, vector<16xi1> -> vector<16xf32>
      %broadcast_in_dim3A_1235 = arith.constant true
      %broadcast_in_dim3A_1236 = vector.broadcast %broadcast_in_dim3A_1235 : i1 to vector<16xi1>
      %masked_cumsum3A_1237 = tpu.scan <sum>, %add3A_1231 masked %broadcast_in_dim3A_1236 : vector<16xf32>, vector<16xi1> -> vector<16xf32>
      %add3A_1238 = arith.addf %masked_cumsum3A, %scan3A_1135 : vector<16xf32>
      %add3A_1239 = arith.addf %masked_cumsum3A_1162, %scan3A_1136 : vector<16xf32>
      %lt3A = arith.constant 0 : i32
      %lt3A_1240 = vector.broadcast %lt3A : i32 to vector<16xi32>
      %lt3A_1241 = arith.cmpi slt, %broadcast_in_dim3A_61, %lt3A_1240 : vector<16xi32>
      %add3A_1242 = arith.constant 16 : i32
      %add3A_1243 = vector.broadcast %add3A_1242 : i32 to vector<16xi32>
      %add3A_1244 = arith.addi %broadcast_in_dim3A_61, %add3A_1243 : vector<16xi32>
      %select_n3A_1245 = arith.select %lt3A_1241, %add3A_1244, %broadcast_in_dim3A_61 : vector<16xi1>, vector<16xi32>
      %broadcast_in_dim3A_1246 = vector.shape_cast %select_n3A_1245 : vector<16xi32> to vector<16x1xi32>
      %gather3A = vector.shape_cast %broadcast_in_dim3A_1246 : vector<16x1xi32> to vector<16xi32>
      %gather3A_1247 = tpu.dynamic_gather %masked_cumsum3A[%gather3A] in [0] : vector<16xf32>, vector<16xi32> -> vector<16xf32>
      %add3A_1248 = arith.addf %scan3A_1135, %gather3A_1247 : vector<16xf32>
      %lt3A_1249 = arith.constant 0 : i32
      %lt3A_1250 = vector.broadcast %lt3A_1249 : i32 to vector<16xi32>
      %lt3A_1251 = arith.cmpi slt, %broadcast_in_dim3A_61, %lt3A_1250 : vector<16xi32>
      %add3A_1252 = arith.constant 16 : i32
      %add3A_1253 = vector.broadcast %add3A_1252 : i32 to vector<16xi32>
      %add3A_1254 = arith.addi %broadcast_in_dim3A_61, %add3A_1253 : vector<16xi32>
      %select_n3A_1255 = arith.select %lt3A_1251, %add3A_1254, %broadcast_in_dim3A_61 : vector<16xi1>, vector<16xi32>
      %broadcast_in_dim3A_1256 = vector.shape_cast %select_n3A_1255 : vector<16xi32> to vector<16x1xi32>
      %gather3A_1257 = vector.shape_cast %broadcast_in_dim3A_1256 : vector<16x1xi32> to vector<16xi32>
      %gather3A_1258 = tpu.dynamic_gather %masked_cumsum3A_1162[%gather3A_1257] in [0] : vector<16xf32>, vector<16xi32> -> vector<16xf32>
      %add3A_1259 = arith.addf %scan3A_1136, %gather3A_1258 : vector<16xf32>
      %add3A_1260 = arith.addf %masked_cumsum3A_1184, %add3A_1248 : vector<16xf32>
      %add3A_1261 = arith.addf %masked_cumsum3A_1187, %add3A_1259 : vector<16xf32>
      %lt3A_1262 = arith.constant 0 : i32
      %lt3A_1263 = vector.broadcast %lt3A_1262 : i32 to vector<16xi32>
      %lt3A_1264 = arith.cmpi slt, %broadcast_in_dim3A_61, %lt3A_1263 : vector<16xi32>
      %add3A_1265 = arith.constant 16 : i32
      %add3A_1266 = vector.broadcast %add3A_1265 : i32 to vector<16xi32>
      %add3A_1267 = arith.addi %broadcast_in_dim3A_61, %add3A_1266 : vector<16xi32>
      %select_n3A_1268 = arith.select %lt3A_1264, %add3A_1267, %broadcast_in_dim3A_61 : vector<16xi1>, vector<16xi32>
      %broadcast_in_dim3A_1269 = vector.shape_cast %select_n3A_1268 : vector<16xi32> to vector<16x1xi32>
      %gather3A_1270 = vector.shape_cast %broadcast_in_dim3A_1269 : vector<16x1xi32> to vector<16xi32>
      %gather3A_1271 = tpu.dynamic_gather %masked_cumsum3A_1184[%gather3A_1270] in [0] : vector<16xf32>, vector<16xi32> -> vector<16xf32>
      %add3A_1272 = arith.addf %add3A_1248, %gather3A_1271 : vector<16xf32>
      %lt3A_1273 = arith.constant 0 : i32
      %lt3A_1274 = vector.broadcast %lt3A_1273 : i32 to vector<16xi32>
      %lt3A_1275 = arith.cmpi slt, %broadcast_in_dim3A_61, %lt3A_1274 : vector<16xi32>
      %add3A_1276 = arith.constant 16 : i32
      %add3A_1277 = vector.broadcast %add3A_1276 : i32 to vector<16xi32>
      %add3A_1278 = arith.addi %broadcast_in_dim3A_61, %add3A_1277 : vector<16xi32>
      %select_n3A_1279 = arith.select %lt3A_1275, %add3A_1278, %broadcast_in_dim3A_61 : vector<16xi1>, vector<16xi32>
      %broadcast_in_dim3A_1280 = vector.shape_cast %select_n3A_1279 : vector<16xi32> to vector<16x1xi32>
      %gather3A_1281 = vector.shape_cast %broadcast_in_dim3A_1280 : vector<16x1xi32> to vector<16xi32>
      %gather3A_1282 = tpu.dynamic_gather %masked_cumsum3A_1187[%gather3A_1281] in [0] : vector<16xf32>, vector<16xi32> -> vector<16xf32>
      %add3A_1283 = arith.addf %add3A_1259, %gather3A_1282 : vector<16xf32>
      %add3A_1284 = arith.addf %masked_cumsum3A_1209, %add3A_1272 : vector<16xf32>
      %add3A_1285 = arith.addf %masked_cumsum3A_1212, %add3A_1283 : vector<16xf32>
      %lt3A_1286 = arith.constant 0 : i32
      %lt3A_1287 = vector.broadcast %lt3A_1286 : i32 to vector<16xi32>
      %lt3A_1288 = arith.cmpi slt, %broadcast_in_dim3A_61, %lt3A_1287 : vector<16xi32>
      %add3A_1289 = arith.constant 16 : i32
      %add3A_1290 = vector.broadcast %add3A_1289 : i32 to vector<16xi32>
      %add3A_1291 = arith.addi %broadcast_in_dim3A_61, %add3A_1290 : vector<16xi32>
      %select_n3A_1292 = arith.select %lt3A_1288, %add3A_1291, %broadcast_in_dim3A_61 : vector<16xi1>, vector<16xi32>
      %broadcast_in_dim3A_1293 = vector.shape_cast %select_n3A_1292 : vector<16xi32> to vector<16x1xi32>
      %gather3A_1294 = vector.shape_cast %broadcast_in_dim3A_1293 : vector<16x1xi32> to vector<16xi32>
      %gather3A_1295 = tpu.dynamic_gather %masked_cumsum3A_1209[%gather3A_1294] in [0] : vector<16xf32>, vector<16xi32> -> vector<16xf32>
      %add3A_1296 = arith.addf %add3A_1272, %gather3A_1295 : vector<16xf32>
      %lt3A_1297 = arith.constant 0 : i32
      %lt3A_1298 = vector.broadcast %lt3A_1297 : i32 to vector<16xi32>
      %lt3A_1299 = arith.cmpi slt, %broadcast_in_dim3A_61, %lt3A_1298 : vector<16xi32>
      %add3A_1300 = arith.constant 16 : i32
      %add3A_1301 = vector.broadcast %add3A_1300 : i32 to vector<16xi32>
      %add3A_1302 = arith.addi %broadcast_in_dim3A_61, %add3A_1301 : vector<16xi32>
      %select_n3A_1303 = arith.select %lt3A_1299, %add3A_1302, %broadcast_in_dim3A_61 : vector<16xi1>, vector<16xi32>
      %broadcast_in_dim3A_1304 = vector.shape_cast %select_n3A_1303 : vector<16xi32> to vector<16x1xi32>
      %gather3A_1305 = vector.shape_cast %broadcast_in_dim3A_1304 : vector<16x1xi32> to vector<16xi32>
      %gather3A_1306 = tpu.dynamic_gather %masked_cumsum3A_1212[%gather3A_1305] in [0] : vector<16xf32>, vector<16xi32> -> vector<16xf32>
      %add3A_1307 = arith.addf %add3A_1283, %gather3A_1306 : vector<16xf32>
      %add3A_1308 = arith.addf %masked_cumsum3A_1234, %add3A_1296 : vector<16xf32>
      %add3A_1309 = arith.addf %masked_cumsum3A_1237, %add3A_1307 : vector<16xf32>
      %lt3A_1310 = arith.constant 0 : i32
      %lt3A_1311 = vector.broadcast %lt3A_1310 : i32 to vector<16xi32>
      %lt3A_1312 = arith.cmpi slt, %broadcast_in_dim3A_61, %lt3A_1311 : vector<16xi32>
      %add3A_1313 = arith.constant 16 : i32
      %add3A_1314 = vector.broadcast %add3A_1313 : i32 to vector<16xi32>
      %add3A_1315 = arith.addi %broadcast_in_dim3A_61, %add3A_1314 : vector<16xi32>
      %select_n3A_1316 = arith.select %lt3A_1312, %add3A_1315, %broadcast_in_dim3A_61 : vector<16xi1>, vector<16xi32>
      %broadcast_in_dim3A_1317 = vector.shape_cast %select_n3A_1316 : vector<16xi32> to vector<16x1xi32>
      %gather3A_1318 = vector.shape_cast %broadcast_in_dim3A_1317 : vector<16x1xi32> to vector<16xi32>
      %gather3A_1319 = tpu.dynamic_gather %masked_cumsum3A_1234[%gather3A_1318] in [0] : vector<16xf32>, vector<16xi32> -> vector<16xf32>
      %add3A_1320 = arith.addf %add3A_1296, %gather3A_1319 : vector<16xf32>
      %lt3A_1321 = arith.constant 0 : i32
      %lt3A_1322 = vector.broadcast %lt3A_1321 : i32 to vector<16xi32>
      %lt3A_1323 = arith.cmpi slt, %broadcast_in_dim3A_61, %lt3A_1322 : vector<16xi32>
      %add3A_1324 = arith.constant 16 : i32
      %add3A_1325 = vector.broadcast %add3A_1324 : i32 to vector<16xi32>
      %add3A_1326 = arith.addi %broadcast_in_dim3A_61, %add3A_1325 : vector<16xi32>
      %select_n3A_1327 = arith.select %lt3A_1323, %add3A_1326, %broadcast_in_dim3A_61 : vector<16xi1>, vector<16xi32>
      %broadcast_in_dim3A_1328 = vector.shape_cast %select_n3A_1327 : vector<16xi32> to vector<16x1xi32>
      %gather3A_1329 = vector.shape_cast %broadcast_in_dim3A_1328 : vector<16x1xi32> to vector<16xi32>
      %gather3A_1330 = tpu.dynamic_gather %masked_cumsum3A_1237[%gather3A_1329] in [0] : vector<16xf32>, vector<16xi32> -> vector<16xf32>
      %add3A_1331 = arith.addf %add3A_1307, %gather3A_1330 : vector<16xf32>
      %ne3A = arith.cmpi ne, %get3A_1142, %get3A_1146 : vector<16xi32>
      tpu.vector_store_idx %arg7[%get3A_1142], %add3A_1238 masked %ne3A : memref<1024xf32, #tpu.memory_space<vmem>>[vector<16xi32>], vector<16xf32>, vector<16xi1>
      tpu.vector_store_idx %arg8[%get3A_1146], %add3A_1238 masked %ne3A : memref<1032xf32, #tpu.memory_space<vmem>>[vector<16xi32>], vector<16xf32>, vector<16xi1>
      tpu.vector_store_idx %arg9[%get3A_1142], %add3A_1239 masked %ne3A : memref<1024xf32, #tpu.memory_space<vmem>>[vector<16xi32>], vector<16xf32>, vector<16xi1>
      tpu.vector_store_idx %arg10[%get3A_1146], %add3A_1239 masked %ne3A : memref<1032xf32, #tpu.memory_space<vmem>>[vector<16xi32>], vector<16xf32>, vector<16xi1>
      %ne3A_1332 = arith.cmpi ne, %get3A_1166, %get3A_1170 : vector<16xi32>
      tpu.vector_store_idx %arg7[%get3A_1166], %add3A_1260 masked %ne3A_1332 : memref<1024xf32, #tpu.memory_space<vmem>>[vector<16xi32>], vector<16xf32>, vector<16xi1>
      tpu.vector_store_idx %arg8[%get3A_1170], %add3A_1260 masked %ne3A_1332 : memref<1032xf32, #tpu.memory_space<vmem>>[vector<16xi32>], vector<16xf32>, vector<16xi1>
      tpu.vector_store_idx %arg9[%get3A_1166], %add3A_1261 masked %ne3A_1332 : memref<1024xf32, #tpu.memory_space<vmem>>[vector<16xi32>], vector<16xf32>, vector<16xi1>
      tpu.vector_store_idx %arg10[%get3A_1170], %add3A_1261 masked %ne3A_1332 : memref<1032xf32, #tpu.memory_space<vmem>>[vector<16xi32>], vector<16xf32>, vector<16xi1>
      %ne3A_1333 = arith.cmpi ne, %get3A_1191, %get3A_1195 : vector<16xi32>
      tpu.vector_store_idx %arg7[%get3A_1191], %add3A_1284 masked %ne3A_1333 : memref<1024xf32, #tpu.memory_space<vmem>>[vector<16xi32>], vector<16xf32>, vector<16xi1>
      tpu.vector_store_idx %arg8[%get3A_1195], %add3A_1284 masked %ne3A_1333 : memref<1032xf32, #tpu.memory_space<vmem>>[vector<16xi32>], vector<16xf32>, vector<16xi1>
      tpu.vector_store_idx %arg9[%get3A_1191], %add3A_1285 masked %ne3A_1333 : memref<1024xf32, #tpu.memory_space<vmem>>[vector<16xi32>], vector<16xf32>, vector<16xi1>
      tpu.vector_store_idx %arg10[%get3A_1195], %add3A_1285 masked %ne3A_1333 : memref<1032xf32, #tpu.memory_space<vmem>>[vector<16xi32>], vector<16xf32>, vector<16xi1>
      %ne3A_1334 = arith.cmpi ne, %get3A_1216, %get3A_1220 : vector<16xi32>
      tpu.vector_store_idx %arg7[%get3A_1216], %add3A_1308 masked %ne3A_1334 : memref<1024xf32, #tpu.memory_space<vmem>>[vector<16xi32>], vector<16xf32>, vector<16xi1>
      tpu.vector_store_idx %arg8[%get3A_1220], %add3A_1308 masked %ne3A_1334 : memref<1032xf32, #tpu.memory_space<vmem>>[vector<16xi32>], vector<16xf32>, vector<16xi1>
      tpu.vector_store_idx %arg9[%get3A_1216], %add3A_1309 masked %ne3A_1334 : memref<1024xf32, #tpu.memory_space<vmem>>[vector<16xi32>], vector<16xf32>, vector<16xi1>
      tpu.vector_store_idx %arg10[%get3A_1220], %add3A_1309 masked %ne3A_1334 : memref<1032xf32, #tpu.memory_space<vmem>>[vector<16xi32>], vector<16xf32>, vector<16xi1>
      scf.yield %add3A_1320, %add3A_1331 : vector<16xf32>, vector<16xf32>
    }
    %scan3A_71 = arith.constant 32 : i32
    %scan3A_72 = arith.constant 0 : i32
    %scan3A_73 = arith.constant 0 : i32
    %scan3A_74 = arith.constant 32 : i32
    %scan3A_75 = arith.addi %scan3A_73, %scan3A_74 : i32
    %scan3A_76 = arith.constant 1 : i32
    %scan3A_77 = scf.for %scan3A_1134 = %scan3A_73 to %scan3A_75 step %scan3A_76 iter_args(%scan3A_1135 = %scan3A_72) -> (i32)  : i32 {
      %mul3A_1136 = arith.constant 32 : i32
      %mul3A_1137 = arith.muli %scan3A_1134, %mul3A_1136 : i32
      %add3A_1138 = arith.constant 0 : i32
      %add3A_1139 = arith.addi %mul3A_1137, %add3A_1138 : i32
      %get3A_1140 = arith.index_cast %add3A_1139 : i32 to index
      %get3A_1141 = tpu.vector_load %arg7[%get3A_1140] {strides = array<i32>} : memref<1024xf32, #tpu.memory_space<vmem>>, vector<16xf32>,
      %get3A_1142 = arith.index_cast %add3A_1139 : i32 to index
      %get3A_1143 = tpu.vector_load %arg8[%get3A_1142] {strides = array<i32>} : memref<1032xf32, #tpu.memory_space<vmem>>, vector<16xf32>,
      %sub3A_1144 = arith.subf %get3A_1141, %get3A_1143 : vector<16xf32>
      %swap3A_1145 = arith.index_cast %add3A_1139 : i32 to index
      %swap3A_1146 = tpu.vector_load %arg7[%swap3A_1145] {strides = array<i32>} : memref<1024xf32, #tpu.memory_space<vmem>>, vector<16xf32>,
      tpu.vector_store %arg7[%swap3A_1145], %sub3A_1144 {strides = array<i32>} : memref<1024xf32, #tpu.memory_space<vmem>>, vector<16xf32>,
      %get3A_1147 = arith.index_cast %add3A_1139 : i32 to index
      %get3A_1148 = tpu.vector_load %arg9[%get3A_1147] {strides = array<i32>} : memref<1024xf32, #tpu.memory_space<vmem>>, vector<16xf32>,
      %get3A_1149 = arith.index_cast %add3A_1139 : i32 to index
      %get3A_1150 = tpu.vector_load %arg10[%get3A_1149] {strides = array<i32>} : memref<1032xf32, #tpu.memory_space<vmem>>, vector<16xf32>,
      %sub3A_1151 = arith.subf %get3A_1148, %get3A_1150 : vector<16xf32>
      %swap3A_1152 = arith.index_cast %add3A_1139 : i32 to index
      %swap3A_1153 = tpu.vector_load %arg9[%swap3A_1152] {strides = array<i32>} : memref<1024xf32, #tpu.memory_space<vmem>>, vector<16xf32>,
      tpu.vector_store %arg9[%swap3A_1152], %sub3A_1151 {strides = array<i32>} : memref<1024xf32, #tpu.memory_space<vmem>>, vector<16xf32>,
      %add3A_1154 = arith.constant 16 : i32
      %add3A_1155 = arith.addi %mul3A_1137, %add3A_1154 : i32
      %get3A_1156 = arith.index_cast %add3A_1155 : i32 to index
      %get3A_1157 = tpu.vector_load %arg7[%get3A_1156] {strides = array<i32>} : memref<1024xf32, #tpu.memory_space<vmem>>, vector<16xf32>,
      %get3A_1158 = arith.index_cast %add3A_1155 : i32 to index
      %get3A_1159 = tpu.vector_load %arg8[%get3A_1158] {strides = array<i32>} : memref<1032xf32, #tpu.memory_space<vmem>>, vector<16xf32>,
      %sub3A_1160 = arith.subf %get3A_1157, %get3A_1159 : vector<16xf32>
      %swap3A_1161 = arith.index_cast %add3A_1155 : i32 to index
      %swap3A_1162 = tpu.vector_load %arg7[%swap3A_1161] {strides = array<i32>} : memref<1024xf32, #tpu.memory_space<vmem>>, vector<16xf32>,
      tpu.vector_store %arg7[%swap3A_1161], %sub3A_1160 {strides = array<i32>} : memref<1024xf32, #tpu.memory_space<vmem>>, vector<16xf32>,
      %get3A_1163 = arith.index_cast %add3A_1155 : i32 to index
      %get3A_1164 = tpu.vector_load %arg9[%get3A_1163] {strides = array<i32>} : memref<1024xf32, #tpu.memory_space<vmem>>, vector<16xf32>,
      %get3A_1165 = arith.index_cast %add3A_1155 : i32 to index
      %get3A_1166 = tpu.vector_load %arg10[%get3A_1165] {strides = array<i32>} : memref<1032xf32, #tpu.memory_space<vmem>>, vector<16xf32>,
      %sub3A_1167 = arith.subf %get3A_1164, %get3A_1166 : vector<16xf32>
      %swap3A_1168 = arith.index_cast %add3A_1155 : i32 to index
      %swap3A_1169 = tpu.vector_load %arg9[%swap3A_1168] {strides = array<i32>} : memref<1024xf32, #tpu.memory_space<vmem>>, vector<16xf32>,
      tpu.vector_store %arg9[%swap3A_1168], %sub3A_1167 {strides = array<i32>} : memref<1024xf32, #tpu.memory_space<vmem>>, vector<16xf32>,
      %scan3A_1170 = arith.constant 0 : i32
      scf.yield %scan3A_1170 : i32
    }
    %scan3A_78 = arith.constant 32 : i32
    %mul3A_79 = arith.constant 1024 : i32
    %mul3A_80 = arith.muli %arg1, %mul3A_79 : i32
    %dma_start3A_81 = tpu.memref_slice %arg11[%mul3A_80] : memref<16384xf32, #tpu.memory_space<vmem_shared>> -> memref<1024xf32, #tpu.memory_space<vmem_shared>>
    %dma_start3A_82 = tpu.memref_slice %arg11[%mul3A_80] : memref<16384xf32, #tpu.memory_space<vmem_shared>> -> memref<1024xf32, #tpu.memory_space<vmem_shared>>
    tpu.enqueue_dma source(%arg7 : memref<1024xf32, #tpu.memory_space<vmem>>) target(%dma_start3A_82 : memref<1024xf32, #tpu.memory_space<vmem_shared>>) target_semaphore(%arg15 : memref<!tpu.dma_semaphore, #tpu.memory_space<semaphore_mem>>)
    %mul3A_83 = arith.constant 1024 : i32
    %mul3A_84 = arith.muli %arg1, %mul3A_83 : i32
    %dma_start3A_85 = tpu.memref_slice %arg12[%mul3A_84] : memref<16384xf32, #tpu.memory_space<vmem_shared>> -> memref<1024xf32, #tpu.memory_space<vmem_shared>>
    %dma_start3A_86 = tpu.memref_slice %arg12[%mul3A_84] : memref<16384xf32, #tpu.memory_space<vmem_shared>> -> memref<1024xf32, #tpu.memory_space<vmem_shared>>
    tpu.enqueue_dma source(%arg9 : memref<1024xf32, #tpu.memory_space<vmem>>) target(%dma_start3A_86 : memref<1024xf32, #tpu.memory_space<vmem_shared>>) target_semaphore(%arg15 : memref<!tpu.dma_semaphore, #tpu.memory_space<semaphore_mem>>)
    %dma_wait3A_87 = tpu.memref_slice %arg11[%mul3A_80] : memref<16384xf32, #tpu.memory_space<vmem_shared>> -> memref<1024xf32, #tpu.memory_space<vmem_shared>>
    %dma_wait3A_88 = tpu.memref_slice %arg11[%mul3A_80] : memref<16384xf32, #tpu.memory_space<vmem_shared>> -> memref<1024xf32, #tpu.memory_space<vmem_shared>>
    tpu.wait_dma2 semaphore(%arg15 : memref<!tpu.dma_semaphore, #tpu.memory_space<semaphore_mem>>) src(%arg7 : memref<1024xf32, #tpu.memory_space<vmem>>) dst(%dma_wait3A_88 : memref<1024xf32, #tpu.memory_space<vmem_shared>>)
    %dma_wait3A_89 = tpu.memref_slice %arg12[%mul3A_84] : memref<16384xf32, #tpu.memory_space<vmem_shared>> -> memref<1024xf32, #tpu.memory_space<vmem_shared>>
    %dma_wait3A_90 = tpu.memref_slice %arg12[%mul3A_84] : memref<16384xf32, #tpu.memory_space<vmem_shared>> -> memref<1024xf32, #tpu.memory_space<vmem_shared>>
    tpu.wait_dma2 semaphore(%arg15 : memref<!tpu.dma_semaphore, #tpu.memory_space<semaphore_mem>>) src(%arg9 : memref<1024xf32, #tpu.memory_space<vmem>>) dst(%dma_wait3A_90 : memref<1024xf32, #tpu.memory_space<vmem_shared>>)
    %barrier3A = arith.constant 0 : index
    tpu.barrier barrier_id(%barrier3A)
    %mul3A_91 = arith.constant 64 : i32
    %mul3A_92 = arith.muli %arg1, %mul3A_91 : i32
    %scan3A_93 = arith.constant 0 : i32
    %scan3A_94 = arith.constant 0 : i32
    %scan3A_95 = arith.constant 16 : i32
    %scan3A_96 = arith.addi %scan3A_94, %scan3A_95 : i32
    %scan3A_97 = arith.constant 1 : i32
    %scan3A_98 = scf.for %scan3A_1134 = %scan3A_94 to %scan3A_96 step %scan3A_97 iter_args(%scan3A_1135 = %scan3A_93) -> (i32)  : i32 {
      %mul3A_1136 = arith.constant 1024 : i32
      %mul3A_1137 = arith.muli %scan3A_1134, %mul3A_1136 : i32
      %add3A_1138 = arith.addi %mul3A_1137, %mul3A_92 : i32
      %mul3A_1139 = arith.constant 64 : i32
      %mul3A_1140 = arith.muli %scan3A_1134, %mul3A_1139 : i32
      %dma_start3A_1141 = tpu.memref_slice %arg13[%mul3A_1140] : memref<2048xf32, #tpu.memory_space<vmem>> -> memref<64xf32, #tpu.memory_space<vmem>>
      %dma_start3A_1142 = tpu.memref_slice %arg11[%add3A_1138] : memref<16384xf32, #tpu.memory_space<vmem_shared>> -> memref<64xf32, #tpu.memory_space<vmem_shared>>
      %dma_start3A_1143 = tpu.memref_slice %arg13[%mul3A_1140] : memref<2048xf32, #tpu.memory_space<vmem>> -> memref<64xf32, #tpu.memory_space<vmem>>
      %dma_start3A_1144 = tpu.memref_slice %arg11[%add3A_1138] : memref<16384xf32, #tpu.memory_space<vmem_shared>> -> memref<64xf32, #tpu.memory_space<vmem_shared>>
      tpu.enqueue_dma source(%dma_start3A_1144 : memref<64xf32, #tpu.memory_space<vmem_shared>>) target(%dma_start3A_1143 : memref<64xf32, #tpu.memory_space<vmem>>) target_semaphore(%arg15 : memref<!tpu.dma_semaphore, #tpu.memory_space<semaphore_mem>>)
      %mul3A_1145 = arith.constant 1024 : i32
      %mul3A_1146 = arith.muli %scan3A_1134, %mul3A_1145 : i32
      %add3A_1147 = arith.addi %mul3A_1146, %mul3A_92 : i32
      %mul3A_1148 = arith.constant 64 : i32
      %mul3A_1149 = arith.muli %scan3A_1134, %mul3A_1148 : i32
      %add3A_1150 = arith.constant 1024 : i32
      %add3A_1151 = arith.addi %add3A_1150, %mul3A_1149 : i32
      %dma_start3A_1152 = tpu.memref_slice %arg13[%add3A_1151] : memref<2048xf32, #tpu.memory_space<vmem>> -> memref<64xf32, #tpu.memory_space<vmem>>
      %dma_start3A_1153 = tpu.memref_slice %arg12[%add3A_1147] : memref<16384xf32, #tpu.memory_space<vmem_shared>> -> memref<64xf32, #tpu.memory_space<vmem_shared>>
      %dma_start3A_1154 = tpu.memref_slice %arg13[%add3A_1151] : memref<2048xf32, #tpu.memory_space<vmem>> -> memref<64xf32, #tpu.memory_space<vmem>>
      %dma_start3A_1155 = tpu.memref_slice %arg12[%add3A_1147] : memref<16384xf32, #tpu.memory_space<vmem_shared>> -> memref<64xf32, #tpu.memory_space<vmem_shared>>
      tpu.enqueue_dma source(%dma_start3A_1155 : memref<64xf32, #tpu.memory_space<vmem_shared>>) target(%dma_start3A_1154 : memref<64xf32, #tpu.memory_space<vmem>>) target_semaphore(%arg15 : memref<!tpu.dma_semaphore, #tpu.memory_space<semaphore_mem>>)
      %scan3A_1156 = arith.constant 0 : i32
      scf.yield %scan3A_1156 : i32
    }
    %scan3A_99 = arith.constant 16 : i32
    %scan3A_100 = arith.constant 0 : i32
    %scan3A_101 = arith.constant 0 : i32
    %scan3A_102 = arith.constant 16 : i32
    %scan3A_103 = arith.addi %scan3A_101, %scan3A_102 : i32
    %scan3A_104 = arith.constant 1 : i32
    %scan3A_105 = scf.for %scan3A_1134 = %scan3A_101 to %scan3A_103 step %scan3A_104 iter_args(%scan3A_1135 = %scan3A_100) -> (i32)  : i32 {
      %mul3A_1136 = arith.constant 1024 : i32
      %mul3A_1137 = arith.muli %scan3A_1134, %mul3A_1136 : i32
      %add3A_1138 = arith.addi %mul3A_1137, %mul3A_92 : i32
      %mul3A_1139 = arith.constant 64 : i32
      %mul3A_1140 = arith.muli %scan3A_1134, %mul3A_1139 : i32
      %dma_wait3A_1141 = tpu.memref_slice %arg13[%mul3A_1140] : memref<2048xf32, #tpu.memory_space<vmem>> -> memref<64xf32, #tpu.memory_space<vmem>>
      %dma_wait3A_1142 = tpu.memref_slice %arg11[%add3A_1138] : memref<16384xf32, #tpu.memory_space<vmem_shared>> -> memref<64xf32, #tpu.memory_space<vmem_shared>>
      %dma_wait3A_1143 = tpu.memref_slice %arg13[%mul3A_1140] : memref<2048xf32, #tpu.memory_space<vmem>> -> memref<64xf32, #tpu.memory_space<vmem>>
      %dma_wait3A_1144 = tpu.memref_slice %arg11[%add3A_1138] : memref<16384xf32, #tpu.memory_space<vmem_shared>> -> memref<64xf32, #tpu.memory_space<vmem_shared>>
      tpu.wait_dma2 semaphore(%arg15 : memref<!tpu.dma_semaphore, #tpu.memory_space<semaphore_mem>>) src(%dma_wait3A_1144 : memref<64xf32, #tpu.memory_space<vmem_shared>>) dst(%dma_wait3A_1143 : memref<64xf32, #tpu.memory_space<vmem>>)
      %mul3A_1145 = arith.constant 1024 : i32
      %mul3A_1146 = arith.muli %scan3A_1134, %mul3A_1145 : i32
      %add3A_1147 = arith.addi %mul3A_1146, %mul3A_92 : i32
      %mul3A_1148 = arith.constant 64 : i32
      %mul3A_1149 = arith.muli %scan3A_1134, %mul3A_1148 : i32
      %add3A_1150 = arith.constant 1024 : i32
      %add3A_1151 = arith.addi %add3A_1150, %mul3A_1149 : i32
      %dma_wait3A_1152 = tpu.memref_slice %arg13[%add3A_1151] : memref<2048xf32, #tpu.memory_space<vmem>> -> memref<64xf32, #tpu.memory_space<vmem>>
      %dma_wait3A_1153 = tpu.memref_slice %arg12[%add3A_1147] : memref<16384xf32, #tpu.memory_space<vmem_shared>> -> memref<64xf32, #tpu.memory_space<vmem_shared>>
      %dma_wait3A_1154 = tpu.memref_slice %arg13[%add3A_1151] : memref<2048xf32, #tpu.memory_space<vmem>> -> memref<64xf32, #tpu.memory_space<vmem>>
      %dma_wait3A_1155 = tpu.memref_slice %arg12[%add3A_1147] : memref<16384xf32, #tpu.memory_space<vmem_shared>> -> memref<64xf32, #tpu.memory_space<vmem_shared>>
      tpu.wait_dma2 semaphore(%arg15 : memref<!tpu.dma_semaphore, #tpu.memory_space<semaphore_mem>>) src(%dma_wait3A_1155 : memref<64xf32, #tpu.memory_space<vmem_shared>>) dst(%dma_wait3A_1154 : memref<64xf32, #tpu.memory_space<vmem>>)
      %scan3A_1156 = arith.constant 0 : i32
      scf.yield %scan3A_1156 : i32
    }
    %scan3A_106 = arith.constant 16 : i32
    %get3A = arith.constant 0 : index
    %get3A_107 = tpu.vector_load %arg13[%get3A] {strides = array<i32>} : memref<2048xf32, #tpu.memory_space<vmem>>, vector<16xf32>,
    %get3A_108 = arith.constant 64 : index
    %get3A_109 = tpu.vector_load %arg13[%get3A_108] {strides = array<i32>} : memref<2048xf32, #tpu.memory_space<vmem>>, vector<16xf32>,
    %get3A_110 = arith.constant 128 : index
    %get3A_111 = tpu.vector_load %arg13[%get3A_110] {strides = array<i32>} : memref<2048xf32, #tpu.memory_space<vmem>>, vector<16xf32>,
    %get3A_112 = arith.constant 192 : index
    %get3A_113 = tpu.vector_load %arg13[%get3A_112] {strides = array<i32>} : memref<2048xf32, #tpu.memory_space<vmem>>, vector<16xf32>,
    %get3A_114 = arith.constant 256 : index
    %get3A_115 = tpu.vector_load %arg13[%get3A_114] {strides = array<i32>} : memref<2048xf32, #tpu.memory_space<vmem>>, vector<16xf32>,
    %get3A_116 = arith.constant 320 : index
    %get3A_117 = tpu.vector_load %arg13[%get3A_116] {strides = array<i32>} : memref<2048xf32, #tpu.memory_space<vmem>>, vector<16xf32>,
    %get3A_118 = arith.constant 384 : index
    %get3A_119 = tpu.vector_load %arg13[%get3A_118] {strides = array<i32>} : memref<2048xf32, #tpu.memory_space<vmem>>, vector<16xf32>,
    %get3A_120 = arith.constant 448 : index
    %get3A_121 = tpu.vector_load %arg13[%get3A_120] {strides = array<i32>} : memref<2048xf32, #tpu.memory_space<vmem>>, vector<16xf32>,
    %get3A_122 = arith.constant 512 : index
    %get3A_123 = tpu.vector_load %arg13[%get3A_122] {strides = array<i32>} : memref<2048xf32, #tpu.memory_space<vmem>>, vector<16xf32>,
    %get3A_124 = arith.constant 576 : index
    %get3A_125 = tpu.vector_load %arg13[%get3A_124] {strides = array<i32>} : memref<2048xf32, #tpu.memory_space<vmem>>, vector<16xf32>,
    %get3A_126 = arith.constant 640 : index
    %get3A_127 = tpu.vector_load %arg13[%get3A_126] {strides = array<i32>} : memref<2048xf32, #tpu.memory_space<vmem>>, vector<16xf32>,
    %get3A_128 = arith.constant 704 : index
    %get3A_129 = tpu.vector_load %arg13[%get3A_128] {strides = array<i32>} : memref<2048xf32, #tpu.memory_space<vmem>>, vector<16xf32>,
    %get3A_130 = arith.constant 768 : index
    %get3A_131 = tpu.vector_load %arg13[%get3A_130] {strides = array<i32>} : memref<2048xf32, #tpu.memory_space<vmem>>, vector<16xf32>,
    %get3A_132 = arith.constant 832 : index
    %get3A_133 = tpu.vector_load %arg13[%get3A_132] {strides = array<i32>} : memref<2048xf32, #tpu.memory_space<vmem>>, vector<16xf32>,
    %get3A_134 = arith.constant 896 : index
    %get3A_135 = tpu.vector_load %arg13[%get3A_134] {strides = array<i32>} : memref<2048xf32, #tpu.memory_space<vmem>>, vector<16xf32>,
    %get3A_136 = arith.constant 960 : index
    %get3A_137 = tpu.vector_load %arg13[%get3A_136] {strides = array<i32>} : memref<2048xf32, #tpu.memory_space<vmem>>, vector<16xf32>,
    %get3A_138 = arith.constant 1024 : index
    %get3A_139 = tpu.vector_load %arg13[%get3A_138] {strides = array<i32>} : memref<2048xf32, #tpu.memory_space<vmem>>, vector<16xf32>,
    %get3A_140 = arith.constant 1088 : index
    %get3A_141 = tpu.vector_load %arg13[%get3A_140] {strides = array<i32>} : memref<2048xf32, #tpu.memory_space<vmem>>, vector<16xf32>,
    %get3A_142 = arith.constant 1152 : index
    %get3A_143 = tpu.vector_load %arg13[%get3A_142] {strides = array<i32>} : memref<2048xf32, #tpu.memory_space<vmem>>, vector<16xf32>,
    %get3A_144 = arith.constant 1216 : index
    %get3A_145 = tpu.vector_load %arg13[%get3A_144] {strides = array<i32>} : memref<2048xf32, #tpu.memory_space<vmem>>, vector<16xf32>,
    %get3A_146 = arith.constant 1280 : index
    %get3A_147 = tpu.vector_load %arg13[%get3A_146] {strides = array<i32>} : memref<2048xf32, #tpu.memory_space<vmem>>, vector<16xf32>,
    %get3A_148 = arith.constant 1344 : index
    %get3A_149 = tpu.vector_load %arg13[%get3A_148] {strides = array<i32>} : memref<2048xf32, #tpu.memory_space<vmem>>, vector<16xf32>,
    %get3A_150 = arith.constant 1408 : index
    %get3A_151 = tpu.vector_load %arg13[%get3A_150] {strides = array<i32>} : memref<2048xf32, #tpu.memory_space<vmem>>, vector<16xf32>,
    %get3A_152 = arith.constant 1472 : index
    %get3A_153 = tpu.vector_load %arg13[%get3A_152] {strides = array<i32>} : memref<2048xf32, #tpu.memory_space<vmem>>, vector<16xf32>,
    %get3A_154 = arith.constant 1536 : index
    %get3A_155 = tpu.vector_load %arg13[%get3A_154] {strides = array<i32>} : memref<2048xf32, #tpu.memory_space<vmem>>, vector<16xf32>,
    %get3A_156 = arith.constant 1600 : index
    %get3A_157 = tpu.vector_load %arg13[%get3A_156] {strides = array<i32>} : memref<2048xf32, #tpu.memory_space<vmem>>, vector<16xf32>,
    %get3A_158 = arith.constant 1664 : index
    %get3A_159 = tpu.vector_load %arg13[%get3A_158] {strides = array<i32>} : memref<2048xf32, #tpu.memory_space<vmem>>, vector<16xf32>,
    %get3A_160 = arith.constant 1728 : index
    %get3A_161 = tpu.vector_load %arg13[%get3A_160] {strides = array<i32>} : memref<2048xf32, #tpu.memory_space<vmem>>, vector<16xf32>,
    %get3A_162 = arith.constant 1792 : index
    %get3A_163 = tpu.vector_load %arg13[%get3A_162] {strides = array<i32>} : memref<2048xf32, #tpu.memory_space<vmem>>, vector<16xf32>,
    %get3A_164 = arith.constant 1856 : index
    %get3A_165 = tpu.vector_load %arg13[%get3A_164] {strides = array<i32>} : memref<2048xf32, #tpu.memory_space<vmem>>, vector<16xf32>,
    %get3A_166 = arith.constant 1920 : index
    %get3A_167 = tpu.vector_load %arg13[%get3A_166] {strides = array<i32>} : memref<2048xf32, #tpu.memory_space<vmem>>, vector<16xf32>,
    %get3A_168 = arith.constant 1984 : index
    %get3A_169 = tpu.vector_load %arg13[%get3A_168] {strides = array<i32>} : memref<2048xf32, #tpu.memory_space<vmem>>, vector<16xf32>,
    %add3A_170 = arith.addf %get3A_107, %get3A_109 : vector<16xf32>
    %add3A_171 = arith.addf %get3A_111, %get3A_113 : vector<16xf32>
    %add3A_172 = arith.addf %get3A_115, %get3A_117 : vector<16xf32>
    %add3A_173 = arith.addf %get3A_119, %get3A_121 : vector<16xf32>
    %add3A_174 = arith.addf %get3A_123, %get3A_125 : vector<16xf32>
    %add3A_175 = arith.addf %get3A_127, %get3A_129 : vector<16xf32>
    %add3A_176 = arith.addf %get3A_131, %get3A_133 : vector<16xf32>
    %add3A_177 = arith.addf %get3A_135, %get3A_137 : vector<16xf32>
    %add3A_178 = arith.addf %get3A_139, %get3A_141 : vector<16xf32>
    %add3A_179 = arith.addf %get3A_143, %get3A_145 : vector<16xf32>
    %add3A_180 = arith.addf %get3A_147, %get3A_149 : vector<16xf32>
    %add3A_181 = arith.addf %get3A_151, %get3A_153 : vector<16xf32>
    %add3A_182 = arith.addf %get3A_155, %get3A_157 : vector<16xf32>
    %add3A_183 = arith.addf %get3A_159, %get3A_161 : vector<16xf32>
    %add3A_184 = arith.addf %get3A_163, %get3A_165 : vector<16xf32>
    %add3A_185 = arith.addf %get3A_167, %get3A_169 : vector<16xf32>
    %add3A_186 = arith.addf %add3A_170, %add3A_171 : vector<16xf32>
    %add3A_187 = arith.addf %add3A_172, %add3A_173 : vector<16xf32>
    %add3A_188 = arith.addf %add3A_174, %add3A_175 : vector<16xf32>
    %add3A_189 = arith.addf %add3A_176, %add3A_177 : vector<16xf32>
    %add3A_190 = arith.addf %add3A_178, %add3A_179 : vector<16xf32>
    %add3A_191 = arith.addf %add3A_180, %add3A_181 : vector<16xf32>
    %add3A_192 = arith.addf %add3A_182, %add3A_183 : vector<16xf32>
    %add3A_193 = arith.addf %add3A_184, %add3A_185 : vector<16xf32>
    %add3A_194 = arith.addf %add3A_186, %add3A_187 : vector<16xf32>
    %add3A_195 = arith.addf %add3A_188, %add3A_189 : vector<16xf32>
    %add3A_196 = arith.addf %add3A_190, %add3A_191 : vector<16xf32>
    %add3A_197 = arith.addf %add3A_192, %add3A_193 : vector<16xf32>
    %add3A_198 = arith.addf %add3A_194, %add3A_195 : vector<16xf32>
    %add3A_199 = arith.addf %add3A_196, %add3A_197 : vector<16xf32>
    %sub3A = arith.constant 1.000000e+00 : f32
    %sub3A_200 = vector.broadcast %sub3A : f32 to vector<16xf32>
    %sub3A_201 = arith.subf %sub3A_200, %add3A_199 : vector<16xf32>
    %mul3A_202 = arith.constant 1.000000e+01 : f32
    %mul3A_203 = vector.broadcast %mul3A_202 : f32 to vector<16xf32>
    %mul3A_204 = arith.mulf %mul3A_203, %sub3A_201 : vector<16xf32>
    %abs3A = math.absf %mul3A_204 : vector<16xf32>
    %neg3A = arith.constant 0.000000e+00 : f32
    %neg3A_205 = vector.broadcast %neg3A : f32 to vector<16xf32>
    %neg3A_206 = arith.subf %neg3A_205, %abs3A : vector<16xf32>
    %exp3A = math.exp %neg3A_206 : vector<16xf32>
    %ge3A = arith.constant 0.000000e+00 : f32
    %ge3A_207 = vector.broadcast %ge3A : f32 to vector<16xf32>
    %ge3A_208 = arith.cmpf oge, %mul3A_204, %ge3A_207 : vector<16xf32>
    %add3A_209 = arith.constant 1.000000e+00 : f32
    %add3A_210 = vector.broadcast %add3A_209 : f32 to vector<16xf32>
    %add3A_211 = arith.addf %add3A_210, %exp3A : vector<16xf32>
    %div3A = arith.constant 1.000000e+00 : f32
    %div3A_212 = vector.broadcast %div3A : f32 to vector<16xf32>
    %div3A_213 = arith.divf %div3A_212, %add3A_211 : vector<16xf32>
    %add3A_214 = arith.constant 1.000000e+00 : f32
    %add3A_215 = vector.broadcast %add3A_214 : f32 to vector<16xf32>
    %add3A_216 = arith.addf %add3A_215, %exp3A : vector<16xf32>
    %div3A_217 = arith.divf %exp3A, %add3A_216 : vector<16xf32>
    %select_n3A = arith.select %ge3A_208, %div3A_213, %div3A_217 : vector<16xi1>, vector<16xf32>
    %add3A_218 = arith.constant 1.000000e-10 : f32
    %add3A_219 = vector.broadcast %add3A_218 : f32 to vector<16xf32>
    %add3A_220 = arith.addf %select_n3A, %add3A_219 : vector<16xf32>
    %bitcast_convert_type3A = tpu.bitcast %add3A_220 : vector<16xf32> -> vector<16xi32>
    %shift_right_arithmetic3A = arith.constant 23 : i32
    %shift_right_arithmetic3A_221 = vector.broadcast %shift_right_arithmetic3A : i32 to vector<16xi32>
    %shift_right_arithmetic3A_222 = arith.shrsi %bitcast_convert_type3A, %shift_right_arithmetic3A_221 : vector<16xi32>
    %sub3A_223 = arith.constant 127 : i32
    %sub3A_224 = vector.broadcast %sub3A_223 : i32 to vector<16xi32>
    %sub3A_225 = arith.subi %shift_right_arithmetic3A_222, %sub3A_224 : vector<16xi32>
    %and3A = arith.constant 8388607 : i32
    %and3A_226 = vector.broadcast %and3A : i32 to vector<16xi32>
    %and3A_227 = arith.andi %bitcast_convert_type3A, %and3A_226 : vector<16xi32>
    %or3A = arith.constant 1065353216 : i32
    %or3A_228 = vector.broadcast %or3A : i32 to vector<16xi32>
    %or3A_229 = arith.ori %and3A_227, %or3A_228 : vector<16xi32>
    %bitcast_convert_type3A_230 = tpu.bitcast %or3A_229 : vector<16xi32> -> vector<16xf32>
    %gt3A = arith.constant 1.41421354 : f32
    %gt3A_231 = vector.broadcast %gt3A : f32 to vector<16xf32>
    %gt3A_232 = arith.cmpf ogt, %bitcast_convert_type3A_230, %gt3A_231 : vector<16xf32>
    %mul3A_233 = arith.constant 5.000000e-01 : f32
    %mul3A_234 = vector.broadcast %mul3A_233 : f32 to vector<16xf32>
    %mul3A_235 = arith.mulf %bitcast_convert_type3A_230, %mul3A_234 : vector<16xf32>
    %select_n3A_236 = arith.select %gt3A_232, %mul3A_235, %bitcast_convert_type3A_230 : vector<16xi1>, vector<16xf32>
    %add3A_237 = arith.constant 1 : i32
    %add3A_238 = vector.broadcast %add3A_237 : i32 to vector<16xi32>
    %add3A_239 = arith.addi %sub3A_225, %add3A_238 : vector<16xi32>
    %select_n3A_240 = arith.select %gt3A_232, %add3A_239, %sub3A_225 : vector<16xi1>, vector<16xi32>
    %sub3A_241 = arith.constant 1.000000e+00 : f32
    %sub3A_242 = vector.broadcast %sub3A_241 : f32 to vector<16xf32>
    %sub3A_243 = arith.subf %select_n3A_236, %sub3A_242 : vector<16xf32>
    %add3A_244 = arith.constant 1.000000e+00 : f32
    %add3A_245 = vector.broadcast %add3A_244 : f32 to vector<16xf32>
    %add3A_246 = arith.addf %select_n3A_236, %add3A_245 : vector<16xf32>
    %div3A_247 = arith.divf %sub3A_243, %add3A_246 : vector<16xf32>
    %mul3A_248 = arith.mulf %div3A_247, %div3A_247 : vector<16xf32>
    %mul3A_249 = arith.constant 0.285714298 : f32
    %mul3A_250 = vector.broadcast %mul3A_249 : f32 to vector<16xf32>
    %mul3A_251 = arith.mulf %mul3A_248, %mul3A_250 : vector<16xf32>
    %add3A_252 = arith.constant 4.000000e-01 : f32
    %add3A_253 = vector.broadcast %add3A_252 : f32 to vector<16xf32>
    %add3A_254 = arith.addf %add3A_253, %mul3A_251 : vector<16xf32>
    %mul3A_255 = arith.mulf %mul3A_248, %add3A_254 : vector<16xf32>
    %add3A_256 = arith.constant 0.666666686 : f32
    %add3A_257 = vector.broadcast %add3A_256 : f32 to vector<16xf32>
    %add3A_258 = arith.addf %add3A_257, %mul3A_255 : vector<16xf32>
    %mul3A_259 = arith.mulf %mul3A_248, %add3A_258 : vector<16xf32>
    %add3A_260 = arith.constant 2.000000e+00 : f32
    %add3A_261 = vector.broadcast %add3A_260 : f32 to vector<16xf32>
    %add3A_262 = arith.addf %add3A_261, %mul3A_259 : vector<16xf32>
    %mul3A_263 = arith.mulf %div3A_247, %add3A_262 : vector<16xf32>
    %convert_element_type3A = arith.sitofp %select_n3A_240 : vector<16xi32> to vector<16xf32>
    %mul3A_264 = arith.constant 0.693147182 : f32
    %mul3A_265 = vector.broadcast %mul3A_264 : f32 to vector<16xf32>
    %mul3A_266 = arith.mulf %convert_element_type3A, %mul3A_265 : vector<16xf32>
    %add3A_267 = arith.addf %mul3A_266, %mul3A_263 : vector<16xf32>
    %sub3A_268 = arith.constant 5.000000e+00 : f32
    %sub3A_269 = vector.broadcast %sub3A_268 : f32 to vector<16xf32>
    %sub3A_270 = arith.subf %sub3A_269, %add3A_198 : vector<16xf32>
    %mul3A_271 = arith.constant 1.000000e+01 : f32
    %mul3A_272 = vector.broadcast %mul3A_271 : f32 to vector<16xf32>
    %mul3A_273 = arith.mulf %mul3A_272, %sub3A_270 : vector<16xf32>
    %abs3A_274 = math.absf %mul3A_273 : vector<16xf32>
    %neg3A_275 = arith.constant 0.000000e+00 : f32
    %neg3A_276 = vector.broadcast %neg3A_275 : f32 to vector<16xf32>
    %neg3A_277 = arith.subf %neg3A_276, %abs3A_274 : vector<16xf32>
    %exp3A_278 = math.exp %neg3A_277 : vector<16xf32>
    %ge3A_279 = arith.constant 0.000000e+00 : f32
    %ge3A_280 = vector.broadcast %ge3A_279 : f32 to vector<16xf32>
    %ge3A_281 = arith.cmpf oge, %mul3A_273, %ge3A_280 : vector<16xf32>
    %add3A_282 = arith.constant 1.000000e+00 : f32
    %add3A_283 = vector.broadcast %add3A_282 : f32 to vector<16xf32>
    %add3A_284 = arith.addf %add3A_283, %exp3A_278 : vector<16xf32>
    %div3A_285 = arith.constant 1.000000e+00 : f32
    %div3A_286 = vector.broadcast %div3A_285 : f32 to vector<16xf32>
    %div3A_287 = arith.divf %div3A_286, %add3A_284 : vector<16xf32>
    %add3A_288 = arith.constant 1.000000e+00 : f32
    %add3A_289 = vector.broadcast %add3A_288 : f32 to vector<16xf32>
    %add3A_290 = arith.addf %add3A_289, %exp3A_278 : vector<16xf32>
    %div3A_291 = arith.divf %exp3A_278, %add3A_290 : vector<16xf32>
    %select_n3A_292 = arith.select %ge3A_281, %div3A_287, %div3A_291 : vector<16xi1>, vector<16xf32>
    %add3A_293 = arith.constant 1.000000e-10 : f32
    %add3A_294 = vector.broadcast %add3A_293 : f32 to vector<16xf32>
    %add3A_295 = arith.addf %select_n3A_292, %add3A_294 : vector<16xf32>
    %bitcast_convert_type3A_296 = tpu.bitcast %add3A_295 : vector<16xf32> -> vector<16xi32>
    %shift_right_arithmetic3A_297 = arith.constant 23 : i32
    %shift_right_arithmetic3A_298 = vector.broadcast %shift_right_arithmetic3A_297 : i32 to vector<16xi32>
    %shift_right_arithmetic3A_299 = arith.shrsi %bitcast_convert_type3A_296, %shift_right_arithmetic3A_298 : vector<16xi32>
    %sub3A_300 = arith.constant 127 : i32
    %sub3A_301 = vector.broadcast %sub3A_300 : i32 to vector<16xi32>
    %sub3A_302 = arith.subi %shift_right_arithmetic3A_299, %sub3A_301 : vector<16xi32>
    %and3A_303 = arith.constant 8388607 : i32
    %and3A_304 = vector.broadcast %and3A_303 : i32 to vector<16xi32>
    %and3A_305 = arith.andi %bitcast_convert_type3A_296, %and3A_304 : vector<16xi32>
    %or3A_306 = arith.constant 1065353216 : i32
    %or3A_307 = vector.broadcast %or3A_306 : i32 to vector<16xi32>
    %or3A_308 = arith.ori %and3A_305, %or3A_307 : vector<16xi32>
    %bitcast_convert_type3A_309 = tpu.bitcast %or3A_308 : vector<16xi32> -> vector<16xf32>
    %gt3A_310 = arith.constant 1.41421354 : f32
    %gt3A_311 = vector.broadcast %gt3A_310 : f32 to vector<16xf32>
    %gt3A_312 = arith.cmpf ogt, %bitcast_convert_type3A_309, %gt3A_311 : vector<16xf32>
    %mul3A_313 = arith.constant 5.000000e-01 : f32
    %mul3A_314 = vector.broadcast %mul3A_313 : f32 to vector<16xf32>
    %mul3A_315 = arith.mulf %bitcast_convert_type3A_309, %mul3A_314 : vector<16xf32>
    %select_n3A_316 = arith.select %gt3A_312, %mul3A_315, %bitcast_convert_type3A_309 : vector<16xi1>, vector<16xf32>
    %add3A_317 = arith.constant 1 : i32
    %add3A_318 = vector.broadcast %add3A_317 : i32 to vector<16xi32>
    %add3A_319 = arith.addi %sub3A_302, %add3A_318 : vector<16xi32>
    %select_n3A_320 = arith.select %gt3A_312, %add3A_319, %sub3A_302 : vector<16xi1>, vector<16xi32>
    %sub3A_321 = arith.constant 1.000000e+00 : f32
    %sub3A_322 = vector.broadcast %sub3A_321 : f32 to vector<16xf32>
    %sub3A_323 = arith.subf %select_n3A_316, %sub3A_322 : vector<16xf32>
    %add3A_324 = arith.constant 1.000000e+00 : f32
    %add3A_325 = vector.broadcast %add3A_324 : f32 to vector<16xf32>
    %add3A_326 = arith.addf %select_n3A_316, %add3A_325 : vector<16xf32>
    %div3A_327 = arith.divf %sub3A_323, %add3A_326 : vector<16xf32>
    %mul3A_328 = arith.mulf %div3A_327, %div3A_327 : vector<16xf32>
    %mul3A_329 = arith.constant 0.285714298 : f32
    %mul3A_330 = vector.broadcast %mul3A_329 : f32 to vector<16xf32>
    %mul3A_331 = arith.mulf %mul3A_328, %mul3A_330 : vector<16xf32>
    %add3A_332 = arith.constant 4.000000e-01 : f32
    %add3A_333 = vector.broadcast %add3A_332 : f32 to vector<16xf32>
    %add3A_334 = arith.addf %add3A_333, %mul3A_331 : vector<16xf32>
    %mul3A_335 = arith.mulf %mul3A_328, %add3A_334 : vector<16xf32>
    %add3A_336 = arith.constant 0.666666686 : f32
    %add3A_337 = vector.broadcast %add3A_336 : f32 to vector<16xf32>
    %add3A_338 = arith.addf %add3A_337, %mul3A_335 : vector<16xf32>
    %mul3A_339 = arith.mulf %mul3A_328, %add3A_338 : vector<16xf32>
    %add3A_340 = arith.constant 2.000000e+00 : f32
    %add3A_341 = vector.broadcast %add3A_340 : f32 to vector<16xf32>
    %add3A_342 = arith.addf %add3A_341, %mul3A_339 : vector<16xf32>
    %mul3A_343 = arith.mulf %div3A_327, %add3A_342 : vector<16xf32>
    %convert_element_type3A_344 = arith.sitofp %select_n3A_320 : vector<16xi32> to vector<16xf32>
    %mul3A_345 = arith.constant 0.693147182 : f32
    %mul3A_346 = vector.broadcast %mul3A_345 : f32 to vector<16xf32>
    %mul3A_347 = arith.mulf %convert_element_type3A_344, %mul3A_346 : vector<16xf32>
    %add3A_348 = arith.addf %mul3A_347, %mul3A_343 : vector<16xf32>
    %swap3A_349 = arith.constant 0 : index
    %swap3A_350 = tpu.vector_load %arg14[%swap3A_349] {strides = array<i32>} : memref<128xf32, #tpu.memory_space<vmem>>, vector<16xf32>,
    tpu.vector_store %arg14[%swap3A_349], %add3A_267 {strides = array<i32>} : memref<128xf32, #tpu.memory_space<vmem>>, vector<16xf32>,
    %swap3A_351 = arith.constant 64 : index
    %swap3A_352 = tpu.vector_load %arg14[%swap3A_351] {strides = array<i32>} : memref<128xf32, #tpu.memory_space<vmem>>, vector<16xf32>,
    tpu.vector_store %arg14[%swap3A_351], %add3A_348 {strides = array<i32>} : memref<128xf32, #tpu.memory_space<vmem>>, vector<16xf32>,
    %get3A_353 = arith.constant 16 : index
    %get3A_354 = tpu.vector_load %arg13[%get3A_353] {strides = array<i32>} : memref<2048xf32, #tpu.memory_space<vmem>>, vector<16xf32>,
    %get3A_355 = arith.constant 80 : index
    %get3A_356 = tpu.vector_load %arg13[%get3A_355] {strides = array<i32>} : memref<2048xf32, #tpu.memory_space<vmem>>, vector<16xf32>,
    %get3A_357 = arith.constant 144 : index
    %get3A_358 = tpu.vector_load %arg13[%get3A_357] {strides = array<i32>} : memref<2048xf32, #tpu.memory_space<vmem>>, vector<16xf32>,
    %get3A_359 = arith.constant 208 : index
    %get3A_360 = tpu.vector_load %arg13[%get3A_359] {strides = array<i32>} : memref<2048xf32, #tpu.memory_space<vmem>>, vector<16xf32>,
    %get3A_361 = arith.constant 272 : index
    %get3A_362 = tpu.vector_load %arg13[%get3A_361] {strides = array<i32>} : memref<2048xf32, #tpu.memory_space<vmem>>, vector<16xf32>,
    %get3A_363 = arith.constant 336 : index
    %get3A_364 = tpu.vector_load %arg13[%get3A_363] {strides = array<i32>} : memref<2048xf32, #tpu.memory_space<vmem>>, vector<16xf32>,
    %get3A_365 = arith.constant 400 : index
    %get3A_366 = tpu.vector_load %arg13[%get3A_365] {strides = array<i32>} : memref<2048xf32, #tpu.memory_space<vmem>>, vector<16xf32>,
    %get3A_367 = arith.constant 464 : index
    %get3A_368 = tpu.vector_load %arg13[%get3A_367] {strides = array<i32>} : memref<2048xf32, #tpu.memory_space<vmem>>, vector<16xf32>,
    %get3A_369 = arith.constant 528 : index
    %get3A_370 = tpu.vector_load %arg13[%get3A_369] {strides = array<i32>} : memref<2048xf32, #tpu.memory_space<vmem>>, vector<16xf32>,
    %get3A_371 = arith.constant 592 : index
    %get3A_372 = tpu.vector_load %arg13[%get3A_371] {strides = array<i32>} : memref<2048xf32, #tpu.memory_space<vmem>>, vector<16xf32>,
    %get3A_373 = arith.constant 656 : index
    %get3A_374 = tpu.vector_load %arg13[%get3A_373] {strides = array<i32>} : memref<2048xf32, #tpu.memory_space<vmem>>, vector<16xf32>,
    %get3A_375 = arith.constant 720 : index
    %get3A_376 = tpu.vector_load %arg13[%get3A_375] {strides = array<i32>} : memref<2048xf32, #tpu.memory_space<vmem>>, vector<16xf32>,
    %get3A_377 = arith.constant 784 : index
    %get3A_378 = tpu.vector_load %arg13[%get3A_377] {strides = array<i32>} : memref<2048xf32, #tpu.memory_space<vmem>>, vector<16xf32>,
    %get3A_379 = arith.constant 848 : index
    %get3A_380 = tpu.vector_load %arg13[%get3A_379] {strides = array<i32>} : memref<2048xf32, #tpu.memory_space<vmem>>, vector<16xf32>,
    %get3A_381 = arith.constant 912 : index
    %get3A_382 = tpu.vector_load %arg13[%get3A_381] {strides = array<i32>} : memref<2048xf32, #tpu.memory_space<vmem>>, vector<16xf32>,
    %get3A_383 = arith.constant 976 : index
    %get3A_384 = tpu.vector_load %arg13[%get3A_383] {strides = array<i32>} : memref<2048xf32, #tpu.memory_space<vmem>>, vector<16xf32>,
    %get3A_385 = arith.constant 1040 : index
    %get3A_386 = tpu.vector_load %arg13[%get3A_385] {strides = array<i32>} : memref<2048xf32, #tpu.memory_space<vmem>>, vector<16xf32>,
    %get3A_387 = arith.constant 1104 : index
    %get3A_388 = tpu.vector_load %arg13[%get3A_387] {strides = array<i32>} : memref<2048xf32, #tpu.memory_space<vmem>>, vector<16xf32>,
    %get3A_389 = arith.constant 1168 : index
    %get3A_390 = tpu.vector_load %arg13[%get3A_389] {strides = array<i32>} : memref<2048xf32, #tpu.memory_space<vmem>>, vector<16xf32>,
    %get3A_391 = arith.constant 1232 : index
    %get3A_392 = tpu.vector_load %arg13[%get3A_391] {strides = array<i32>} : memref<2048xf32, #tpu.memory_space<vmem>>, vector<16xf32>,
    %get3A_393 = arith.constant 1296 : index
    %get3A_394 = tpu.vector_load %arg13[%get3A_393] {strides = array<i32>} : memref<2048xf32, #tpu.memory_space<vmem>>, vector<16xf32>,
    %get3A_395 = arith.constant 1360 : index
    %get3A_396 = tpu.vector_load %arg13[%get3A_395] {strides = array<i32>} : memref<2048xf32, #tpu.memory_space<vmem>>, vector<16xf32>,
    %get3A_397 = arith.constant 1424 : index
    %get3A_398 = tpu.vector_load %arg13[%get3A_397] {strides = array<i32>} : memref<2048xf32, #tpu.memory_space<vmem>>, vector<16xf32>,
    %get3A_399 = arith.constant 1488 : index
    %get3A_400 = tpu.vector_load %arg13[%get3A_399] {strides = array<i32>} : memref<2048xf32, #tpu.memory_space<vmem>>, vector<16xf32>,
    %get3A_401 = arith.constant 1552 : index
    %get3A_402 = tpu.vector_load %arg13[%get3A_401] {strides = array<i32>} : memref<2048xf32, #tpu.memory_space<vmem>>, vector<16xf32>,
    %get3A_403 = arith.constant 1616 : index
    %get3A_404 = tpu.vector_load %arg13[%get3A_403] {strides = array<i32>} : memref<2048xf32, #tpu.memory_space<vmem>>, vector<16xf32>,
    %get3A_405 = arith.constant 1680 : index
    %get3A_406 = tpu.vector_load %arg13[%get3A_405] {strides = array<i32>} : memref<2048xf32, #tpu.memory_space<vmem>>, vector<16xf32>,
    %get3A_407 = arith.constant 1744 : index
    %get3A_408 = tpu.vector_load %arg13[%get3A_407] {strides = array<i32>} : memref<2048xf32, #tpu.memory_space<vmem>>, vector<16xf32>,
    %get3A_409 = arith.constant 1808 : index
    %get3A_410 = tpu.vector_load %arg13[%get3A_409] {strides = array<i32>} : memref<2048xf32, #tpu.memory_space<vmem>>, vector<16xf32>,
    %get3A_411 = arith.constant 1872 : index
    %get3A_412 = tpu.vector_load %arg13[%get3A_411] {strides = array<i32>} : memref<2048xf32, #tpu.memory_space<vmem>>, vector<16xf32>,
    %get3A_413 = arith.constant 1936 : index
    %get3A_414 = tpu.vector_load %arg13[%get3A_413] {strides = array<i32>} : memref<2048xf32, #tpu.memory_space<vmem>>, vector<16xf32>,
    %get3A_415 = arith.constant 2000 : index
    %get3A_416 = tpu.vector_load %arg13[%get3A_415] {strides = array<i32>} : memref<2048xf32, #tpu.memory_space<vmem>>, vector<16xf32>,
    %add3A_417 = arith.addf %get3A_354, %get3A_356 : vector<16xf32>
    %add3A_418 = arith.addf %get3A_358, %get3A_360 : vector<16xf32>
    %add3A_419 = arith.addf %get3A_362, %get3A_364 : vector<16xf32>
    %add3A_420 = arith.addf %get3A_366, %get3A_368 : vector<16xf32>
    %add3A_421 = arith.addf %get3A_370, %get3A_372 : vector<16xf32>
    %add3A_422 = arith.addf %get3A_374, %get3A_376 : vector<16xf32>
    %add3A_423 = arith.addf %get3A_378, %get3A_380 : vector<16xf32>
    %add3A_424 = arith.addf %get3A_382, %get3A_384 : vector<16xf32>
    %add3A_425 = arith.addf %get3A_386, %get3A_388 : vector<16xf32>
    %add3A_426 = arith.addf %get3A_390, %get3A_392 : vector<16xf32>
    %add3A_427 = arith.addf %get3A_394, %get3A_396 : vector<16xf32>
    %add3A_428 = arith.addf %get3A_398, %get3A_400 : vector<16xf32>
    %add3A_429 = arith.addf %get3A_402, %get3A_404 : vector<16xf32>
    %add3A_430 = arith.addf %get3A_406, %get3A_408 : vector<16xf32>
    %add3A_431 = arith.addf %get3A_410, %get3A_412 : vector<16xf32>
    %add3A_432 = arith.addf %get3A_414, %get3A_416 : vector<16xf32>
    %add3A_433 = arith.addf %add3A_417, %add3A_418 : vector<16xf32>
    %add3A_434 = arith.addf %add3A_419, %add3A_420 : vector<16xf32>
    %add3A_435 = arith.addf %add3A_421, %add3A_422 : vector<16xf32>
    %add3A_436 = arith.addf %add3A_423, %add3A_424 : vector<16xf32>
    %add3A_437 = arith.addf %add3A_425, %add3A_426 : vector<16xf32>
    %add3A_438 = arith.addf %add3A_427, %add3A_428 : vector<16xf32>
    %add3A_439 = arith.addf %add3A_429, %add3A_430 : vector<16xf32>
    %add3A_440 = arith.addf %add3A_431, %add3A_432 : vector<16xf32>
    %add3A_441 = arith.addf %add3A_433, %add3A_434 : vector<16xf32>
    %add3A_442 = arith.addf %add3A_435, %add3A_436 : vector<16xf32>
    %add3A_443 = arith.addf %add3A_437, %add3A_438 : vector<16xf32>
    %add3A_444 = arith.addf %add3A_439, %add3A_440 : vector<16xf32>
    %add3A_445 = arith.addf %add3A_441, %add3A_442 : vector<16xf32>
    %add3A_446 = arith.addf %add3A_443, %add3A_444 : vector<16xf32>
    %sub3A_447 = arith.constant 1.000000e+00 : f32
    %sub3A_448 = vector.broadcast %sub3A_447 : f32 to vector<16xf32>
    %sub3A_449 = arith.subf %sub3A_448, %add3A_446 : vector<16xf32>
    %mul3A_450 = arith.constant 1.000000e+01 : f32
    %mul3A_451 = vector.broadcast %mul3A_450 : f32 to vector<16xf32>
    %mul3A_452 = arith.mulf %mul3A_451, %sub3A_449 : vector<16xf32>
    %abs3A_453 = math.absf %mul3A_452 : vector<16xf32>
    %neg3A_454 = arith.constant 0.000000e+00 : f32
    %neg3A_455 = vector.broadcast %neg3A_454 : f32 to vector<16xf32>
    %neg3A_456 = arith.subf %neg3A_455, %abs3A_453 : vector<16xf32>
    %exp3A_457 = math.exp %neg3A_456 : vector<16xf32>
    %ge3A_458 = arith.constant 0.000000e+00 : f32
    %ge3A_459 = vector.broadcast %ge3A_458 : f32 to vector<16xf32>
    %ge3A_460 = arith.cmpf oge, %mul3A_452, %ge3A_459 : vector<16xf32>
    %add3A_461 = arith.constant 1.000000e+00 : f32
    %add3A_462 = vector.broadcast %add3A_461 : f32 to vector<16xf32>
    %add3A_463 = arith.addf %add3A_462, %exp3A_457 : vector<16xf32>
    %div3A_464 = arith.constant 1.000000e+00 : f32
    %div3A_465 = vector.broadcast %div3A_464 : f32 to vector<16xf32>
    %div3A_466 = arith.divf %div3A_465, %add3A_463 : vector<16xf32>
    %add3A_467 = arith.constant 1.000000e+00 : f32
    %add3A_468 = vector.broadcast %add3A_467 : f32 to vector<16xf32>
    %add3A_469 = arith.addf %add3A_468, %exp3A_457 : vector<16xf32>
    %div3A_470 = arith.divf %exp3A_457, %add3A_469 : vector<16xf32>
    %select_n3A_471 = arith.select %ge3A_460, %div3A_466, %div3A_470 : vector<16xi1>, vector<16xf32>
    %add3A_472 = arith.constant 1.000000e-10 : f32
    %add3A_473 = vector.broadcast %add3A_472 : f32 to vector<16xf32>
    %add3A_474 = arith.addf %select_n3A_471, %add3A_473 : vector<16xf32>
    %bitcast_convert_type3A_475 = tpu.bitcast %add3A_474 : vector<16xf32> -> vector<16xi32>
    %shift_right_arithmetic3A_476 = arith.constant 23 : i32
    %shift_right_arithmetic3A_477 = vector.broadcast %shift_right_arithmetic3A_476 : i32 to vector<16xi32>
    %shift_right_arithmetic3A_478 = arith.shrsi %bitcast_convert_type3A_475, %shift_right_arithmetic3A_477 : vector<16xi32>
    %sub3A_479 = arith.constant 127 : i32
    %sub3A_480 = vector.broadcast %sub3A_479 : i32 to vector<16xi32>
    %sub3A_481 = arith.subi %shift_right_arithmetic3A_478, %sub3A_480 : vector<16xi32>
    %and3A_482 = arith.constant 8388607 : i32
    %and3A_483 = vector.broadcast %and3A_482 : i32 to vector<16xi32>
    %and3A_484 = arith.andi %bitcast_convert_type3A_475, %and3A_483 : vector<16xi32>
    %or3A_485 = arith.constant 1065353216 : i32
    %or3A_486 = vector.broadcast %or3A_485 : i32 to vector<16xi32>
    %or3A_487 = arith.ori %and3A_484, %or3A_486 : vector<16xi32>
    %bitcast_convert_type3A_488 = tpu.bitcast %or3A_487 : vector<16xi32> -> vector<16xf32>
    %gt3A_489 = arith.constant 1.41421354 : f32
    %gt3A_490 = vector.broadcast %gt3A_489 : f32 to vector<16xf32>
    %gt3A_491 = arith.cmpf ogt, %bitcast_convert_type3A_488, %gt3A_490 : vector<16xf32>
    %mul3A_492 = arith.constant 5.000000e-01 : f32
    %mul3A_493 = vector.broadcast %mul3A_492 : f32 to vector<16xf32>
    %mul3A_494 = arith.mulf %bitcast_convert_type3A_488, %mul3A_493 : vector<16xf32>
    %select_n3A_495 = arith.select %gt3A_491, %mul3A_494, %bitcast_convert_type3A_488 : vector<16xi1>, vector<16xf32>
    %add3A_496 = arith.constant 1 : i32
    %add3A_497 = vector.broadcast %add3A_496 : i32 to vector<16xi32>
    %add3A_498 = arith.addi %sub3A_481, %add3A_497 : vector<16xi32>
    %select_n3A_499 = arith.select %gt3A_491, %add3A_498, %sub3A_481 : vector<16xi1>, vector<16xi32>
    %sub3A_500 = arith.constant 1.000000e+00 : f32
    %sub3A_501 = vector.broadcast %sub3A_500 : f32 to vector<16xf32>
    %sub3A_502 = arith.subf %select_n3A_495, %sub3A_501 : vector<16xf32>
    %add3A_503 = arith.constant 1.000000e+00 : f32
    %add3A_504 = vector.broadcast %add3A_503 : f32 to vector<16xf32>
    %add3A_505 = arith.addf %select_n3A_495, %add3A_504 : vector<16xf32>
    %div3A_506 = arith.divf %sub3A_502, %add3A_505 : vector<16xf32>
    %mul3A_507 = arith.mulf %div3A_506, %div3A_506 : vector<16xf32>
    %mul3A_508 = arith.constant 0.285714298 : f32
    %mul3A_509 = vector.broadcast %mul3A_508 : f32 to vector<16xf32>
    %mul3A_510 = arith.mulf %mul3A_507, %mul3A_509 : vector<16xf32>
    %add3A_511 = arith.constant 4.000000e-01 : f32
    %add3A_512 = vector.broadcast %add3A_511 : f32 to vector<16xf32>
    %add3A_513 = arith.addf %add3A_512, %mul3A_510 : vector<16xf32>
    %mul3A_514 = arith.mulf %mul3A_507, %add3A_513 : vector<16xf32>
    %add3A_515 = arith.constant 0.666666686 : f32
    %add3A_516 = vector.broadcast %add3A_515 : f32 to vector<16xf32>
    %add3A_517 = arith.addf %add3A_516, %mul3A_514 : vector<16xf32>
    %mul3A_518 = arith.mulf %mul3A_507, %add3A_517 : vector<16xf32>
    %add3A_519 = arith.constant 2.000000e+00 : f32
    %add3A_520 = vector.broadcast %add3A_519 : f32 to vector<16xf32>
    %add3A_521 = arith.addf %add3A_520, %mul3A_518 : vector<16xf32>
    %mul3A_522 = arith.mulf %div3A_506, %add3A_521 : vector<16xf32>
    %convert_element_type3A_523 = arith.sitofp %select_n3A_499 : vector<16xi32> to vector<16xf32>
    %mul3A_524 = arith.constant 0.693147182 : f32
    %mul3A_525 = vector.broadcast %mul3A_524 : f32 to vector<16xf32>
    %mul3A_526 = arith.mulf %convert_element_type3A_523, %mul3A_525 : vector<16xf32>
    %add3A_527 = arith.addf %mul3A_526, %mul3A_522 : vector<16xf32>
    %sub3A_528 = arith.constant 5.000000e+00 : f32
    %sub3A_529 = vector.broadcast %sub3A_528 : f32 to vector<16xf32>
    %sub3A_530 = arith.subf %sub3A_529, %add3A_445 : vector<16xf32>
    %mul3A_531 = arith.constant 1.000000e+01 : f32
    %mul3A_532 = vector.broadcast %mul3A_531 : f32 to vector<16xf32>
    %mul3A_533 = arith.mulf %mul3A_532, %sub3A_530 : vector<16xf32>
    %abs3A_534 = math.absf %mul3A_533 : vector<16xf32>
    %neg3A_535 = arith.constant 0.000000e+00 : f32
    %neg3A_536 = vector.broadcast %neg3A_535 : f32 to vector<16xf32>
    %neg3A_537 = arith.subf %neg3A_536, %abs3A_534 : vector<16xf32>
    %exp3A_538 = math.exp %neg3A_537 : vector<16xf32>
    %ge3A_539 = arith.constant 0.000000e+00 : f32
    %ge3A_540 = vector.broadcast %ge3A_539 : f32 to vector<16xf32>
    %ge3A_541 = arith.cmpf oge, %mul3A_533, %ge3A_540 : vector<16xf32>
    %add3A_542 = arith.constant 1.000000e+00 : f32
    %add3A_543 = vector.broadcast %add3A_542 : f32 to vector<16xf32>
    %add3A_544 = arith.addf %add3A_543, %exp3A_538 : vector<16xf32>
    %div3A_545 = arith.constant 1.000000e+00 : f32
    %div3A_546 = vector.broadcast %div3A_545 : f32 to vector<16xf32>
    %div3A_547 = arith.divf %div3A_546, %add3A_544 : vector<16xf32>
    %add3A_548 = arith.constant 1.000000e+00 : f32
    %add3A_549 = vector.broadcast %add3A_548 : f32 to vector<16xf32>
    %add3A_550 = arith.addf %add3A_549, %exp3A_538 : vector<16xf32>
    %div3A_551 = arith.divf %exp3A_538, %add3A_550 : vector<16xf32>
    %select_n3A_552 = arith.select %ge3A_541, %div3A_547, %div3A_551 : vector<16xi1>, vector<16xf32>
    %add3A_553 = arith.constant 1.000000e-10 : f32
    %add3A_554 = vector.broadcast %add3A_553 : f32 to vector<16xf32>
    %add3A_555 = arith.addf %select_n3A_552, %add3A_554 : vector<16xf32>
    %bitcast_convert_type3A_556 = tpu.bitcast %add3A_555 : vector<16xf32> -> vector<16xi32>
    %shift_right_arithmetic3A_557 = arith.constant 23 : i32
    %shift_right_arithmetic3A_558 = vector.broadcast %shift_right_arithmetic3A_557 : i32 to vector<16xi32>
    %shift_right_arithmetic3A_559 = arith.shrsi %bitcast_convert_type3A_556, %shift_right_arithmetic3A_558 : vector<16xi32>
    %sub3A_560 = arith.constant 127 : i32
    %sub3A_561 = vector.broadcast %sub3A_560 : i32 to vector<16xi32>
    %sub3A_562 = arith.subi %shift_right_arithmetic3A_559, %sub3A_561 : vector<16xi32>
    %and3A_563 = arith.constant 8388607 : i32
    %and3A_564 = vector.broadcast %and3A_563 : i32 to vector<16xi32>
    %and3A_565 = arith.andi %bitcast_convert_type3A_556, %and3A_564 : vector<16xi32>
    %or3A_566 = arith.constant 1065353216 : i32
    %or3A_567 = vector.broadcast %or3A_566 : i32 to vector<16xi32>
    %or3A_568 = arith.ori %and3A_565, %or3A_567 : vector<16xi32>
    %bitcast_convert_type3A_569 = tpu.bitcast %or3A_568 : vector<16xi32> -> vector<16xf32>
    %gt3A_570 = arith.constant 1.41421354 : f32
    %gt3A_571 = vector.broadcast %gt3A_570 : f32 to vector<16xf32>
    %gt3A_572 = arith.cmpf ogt, %bitcast_convert_type3A_569, %gt3A_571 : vector<16xf32>
    %mul3A_573 = arith.constant 5.000000e-01 : f32
    %mul3A_574 = vector.broadcast %mul3A_573 : f32 to vector<16xf32>
    %mul3A_575 = arith.mulf %bitcast_convert_type3A_569, %mul3A_574 : vector<16xf32>
    %select_n3A_576 = arith.select %gt3A_572, %mul3A_575, %bitcast_convert_type3A_569 : vector<16xi1>, vector<16xf32>
    %add3A_577 = arith.constant 1 : i32
    %add3A_578 = vector.broadcast %add3A_577 : i32 to vector<16xi32>
    %add3A_579 = arith.addi %sub3A_562, %add3A_578 : vector<16xi32>
    %select_n3A_580 = arith.select %gt3A_572, %add3A_579, %sub3A_562 : vector<16xi1>, vector<16xi32>
    %sub3A_581 = arith.constant 1.000000e+00 : f32
    %sub3A_582 = vector.broadcast %sub3A_581 : f32 to vector<16xf32>
    %sub3A_583 = arith.subf %select_n3A_576, %sub3A_582 : vector<16xf32>
    %add3A_584 = arith.constant 1.000000e+00 : f32
    %add3A_585 = vector.broadcast %add3A_584 : f32 to vector<16xf32>
    %add3A_586 = arith.addf %select_n3A_576, %add3A_585 : vector<16xf32>
    %div3A_587 = arith.divf %sub3A_583, %add3A_586 : vector<16xf32>
    %mul3A_588 = arith.mulf %div3A_587, %div3A_587 : vector<16xf32>
    %mul3A_589 = arith.constant 0.285714298 : f32
    %mul3A_590 = vector.broadcast %mul3A_589 : f32 to vector<16xf32>
    %mul3A_591 = arith.mulf %mul3A_588, %mul3A_590 : vector<16xf32>
    %add3A_592 = arith.constant 4.000000e-01 : f32
    %add3A_593 = vector.broadcast %add3A_592 : f32 to vector<16xf32>
    %add3A_594 = arith.addf %add3A_593, %mul3A_591 : vector<16xf32>
    %mul3A_595 = arith.mulf %mul3A_588, %add3A_594 : vector<16xf32>
    %add3A_596 = arith.constant 0.666666686 : f32
    %add3A_597 = vector.broadcast %add3A_596 : f32 to vector<16xf32>
    %add3A_598 = arith.addf %add3A_597, %mul3A_595 : vector<16xf32>
    %mul3A_599 = arith.mulf %mul3A_588, %add3A_598 : vector<16xf32>
    %add3A_600 = arith.constant 2.000000e+00 : f32
    %add3A_601 = vector.broadcast %add3A_600 : f32 to vector<16xf32>
    %add3A_602 = arith.addf %add3A_601, %mul3A_599 : vector<16xf32>
    %mul3A_603 = arith.mulf %div3A_587, %add3A_602 : vector<16xf32>
    %convert_element_type3A_604 = arith.sitofp %select_n3A_580 : vector<16xi32> to vector<16xf32>
    %mul3A_605 = arith.constant 0.693147182 : f32
    %mul3A_606 = vector.broadcast %mul3A_605 : f32 to vector<16xf32>
    %mul3A_607 = arith.mulf %convert_element_type3A_604, %mul3A_606 : vector<16xf32>
    %add3A_608 = arith.addf %mul3A_607, %mul3A_603 : vector<16xf32>
    %swap3A_609 = arith.constant 16 : index
    %swap3A_610 = tpu.vector_load %arg14[%swap3A_609] {strides = array<i32>} : memref<128xf32, #tpu.memory_space<vmem>>, vector<16xf32>,
    tpu.vector_store %arg14[%swap3A_609], %add3A_527 {strides = array<i32>} : memref<128xf32, #tpu.memory_space<vmem>>, vector<16xf32>,
    %swap3A_611 = arith.constant 80 : index
    %swap3A_612 = tpu.vector_load %arg14[%swap3A_611] {strides = array<i32>} : memref<128xf32, #tpu.memory_space<vmem>>, vector<16xf32>,
    tpu.vector_store %arg14[%swap3A_611], %add3A_608 {strides = array<i32>} : memref<128xf32, #tpu.memory_space<vmem>>, vector<16xf32>,
    %get3A_613 = arith.constant 32 : index
    %get3A_614 = tpu.vector_load %arg13[%get3A_613] {strides = array<i32>} : memref<2048xf32, #tpu.memory_space<vmem>>, vector<16xf32>,
    %get3A_615 = arith.constant 96 : index
    %get3A_616 = tpu.vector_load %arg13[%get3A_615] {strides = array<i32>} : memref<2048xf32, #tpu.memory_space<vmem>>, vector<16xf32>,
    %get3A_617 = arith.constant 160 : index
    %get3A_618 = tpu.vector_load %arg13[%get3A_617] {strides = array<i32>} : memref<2048xf32, #tpu.memory_space<vmem>>, vector<16xf32>,
    %get3A_619 = arith.constant 224 : index
    %get3A_620 = tpu.vector_load %arg13[%get3A_619] {strides = array<i32>} : memref<2048xf32, #tpu.memory_space<vmem>>, vector<16xf32>,
    %get3A_621 = arith.constant 288 : index
    %get3A_622 = tpu.vector_load %arg13[%get3A_621] {strides = array<i32>} : memref<2048xf32, #tpu.memory_space<vmem>>, vector<16xf32>,
    %get3A_623 = arith.constant 352 : index
    %get3A_624 = tpu.vector_load %arg13[%get3A_623] {strides = array<i32>} : memref<2048xf32, #tpu.memory_space<vmem>>, vector<16xf32>,
    %get3A_625 = arith.constant 416 : index
    %get3A_626 = tpu.vector_load %arg13[%get3A_625] {strides = array<i32>} : memref<2048xf32, #tpu.memory_space<vmem>>, vector<16xf32>,
    %get3A_627 = arith.constant 480 : index
    %get3A_628 = tpu.vector_load %arg13[%get3A_627] {strides = array<i32>} : memref<2048xf32, #tpu.memory_space<vmem>>, vector<16xf32>,
    %get3A_629 = arith.constant 544 : index
    %get3A_630 = tpu.vector_load %arg13[%get3A_629] {strides = array<i32>} : memref<2048xf32, #tpu.memory_space<vmem>>, vector<16xf32>,
    %get3A_631 = arith.constant 608 : index
    %get3A_632 = tpu.vector_load %arg13[%get3A_631] {strides = array<i32>} : memref<2048xf32, #tpu.memory_space<vmem>>, vector<16xf32>,
    %get3A_633 = arith.constant 672 : index
    %get3A_634 = tpu.vector_load %arg13[%get3A_633] {strides = array<i32>} : memref<2048xf32, #tpu.memory_space<vmem>>, vector<16xf32>,
    %get3A_635 = arith.constant 736 : index
    %get3A_636 = tpu.vector_load %arg13[%get3A_635] {strides = array<i32>} : memref<2048xf32, #tpu.memory_space<vmem>>, vector<16xf32>,
    %get3A_637 = arith.constant 800 : index
    %get3A_638 = tpu.vector_load %arg13[%get3A_637] {strides = array<i32>} : memref<2048xf32, #tpu.memory_space<vmem>>, vector<16xf32>,
    %get3A_639 = arith.constant 864 : index
    %get3A_640 = tpu.vector_load %arg13[%get3A_639] {strides = array<i32>} : memref<2048xf32, #tpu.memory_space<vmem>>, vector<16xf32>,
    %get3A_641 = arith.constant 928 : index
    %get3A_642 = tpu.vector_load %arg13[%get3A_641] {strides = array<i32>} : memref<2048xf32, #tpu.memory_space<vmem>>, vector<16xf32>,
    %get3A_643 = arith.constant 992 : index
    %get3A_644 = tpu.vector_load %arg13[%get3A_643] {strides = array<i32>} : memref<2048xf32, #tpu.memory_space<vmem>>, vector<16xf32>,
    %get3A_645 = arith.constant 1056 : index
    %get3A_646 = tpu.vector_load %arg13[%get3A_645] {strides = array<i32>} : memref<2048xf32, #tpu.memory_space<vmem>>, vector<16xf32>,
    %get3A_647 = arith.constant 1120 : index
    %get3A_648 = tpu.vector_load %arg13[%get3A_647] {strides = array<i32>} : memref<2048xf32, #tpu.memory_space<vmem>>, vector<16xf32>,
    %get3A_649 = arith.constant 1184 : index
    %get3A_650 = tpu.vector_load %arg13[%get3A_649] {strides = array<i32>} : memref<2048xf32, #tpu.memory_space<vmem>>, vector<16xf32>,
    %get3A_651 = arith.constant 1248 : index
    %get3A_652 = tpu.vector_load %arg13[%get3A_651] {strides = array<i32>} : memref<2048xf32, #tpu.memory_space<vmem>>, vector<16xf32>,
    %get3A_653 = arith.constant 1312 : index
    %get3A_654 = tpu.vector_load %arg13[%get3A_653] {strides = array<i32>} : memref<2048xf32, #tpu.memory_space<vmem>>, vector<16xf32>,
    %get3A_655 = arith.constant 1376 : index
    %get3A_656 = tpu.vector_load %arg13[%get3A_655] {strides = array<i32>} : memref<2048xf32, #tpu.memory_space<vmem>>, vector<16xf32>,
    %get3A_657 = arith.constant 1440 : index
    %get3A_658 = tpu.vector_load %arg13[%get3A_657] {strides = array<i32>} : memref<2048xf32, #tpu.memory_space<vmem>>, vector<16xf32>,
    %get3A_659 = arith.constant 1504 : index
    %get3A_660 = tpu.vector_load %arg13[%get3A_659] {strides = array<i32>} : memref<2048xf32, #tpu.memory_space<vmem>>, vector<16xf32>,
    %get3A_661 = arith.constant 1568 : index
    %get3A_662 = tpu.vector_load %arg13[%get3A_661] {strides = array<i32>} : memref<2048xf32, #tpu.memory_space<vmem>>, vector<16xf32>,
    %get3A_663 = arith.constant 1632 : index
    %get3A_664 = tpu.vector_load %arg13[%get3A_663] {strides = array<i32>} : memref<2048xf32, #tpu.memory_space<vmem>>, vector<16xf32>,
    %get3A_665 = arith.constant 1696 : index
    %get3A_666 = tpu.vector_load %arg13[%get3A_665] {strides = array<i32>} : memref<2048xf32, #tpu.memory_space<vmem>>, vector<16xf32>,
    %get3A_667 = arith.constant 1760 : index
    %get3A_668 = tpu.vector_load %arg13[%get3A_667] {strides = array<i32>} : memref<2048xf32, #tpu.memory_space<vmem>>, vector<16xf32>,
    %get3A_669 = arith.constant 1824 : index
    %get3A_670 = tpu.vector_load %arg13[%get3A_669] {strides = array<i32>} : memref<2048xf32, #tpu.memory_space<vmem>>, vector<16xf32>,
    %get3A_671 = arith.constant 1888 : index
    %get3A_672 = tpu.vector_load %arg13[%get3A_671] {strides = array<i32>} : memref<2048xf32, #tpu.memory_space<vmem>>, vector<16xf32>,
    %get3A_673 = arith.constant 1952 : index
    %get3A_674 = tpu.vector_load %arg13[%get3A_673] {strides = array<i32>} : memref<2048xf32, #tpu.memory_space<vmem>>, vector<16xf32>,
    %get3A_675 = arith.constant 2016 : index
    %get3A_676 = tpu.vector_load %arg13[%get3A_675] {strides = array<i32>} : memref<2048xf32, #tpu.memory_space<vmem>>, vector<16xf32>,
    %add3A_677 = arith.addf %get3A_614, %get3A_616 : vector<16xf32>
    %add3A_678 = arith.addf %get3A_618, %get3A_620 : vector<16xf32>
    %add3A_679 = arith.addf %get3A_622, %get3A_624 : vector<16xf32>
    %add3A_680 = arith.addf %get3A_626, %get3A_628 : vector<16xf32>
    %add3A_681 = arith.addf %get3A_630, %get3A_632 : vector<16xf32>
    %add3A_682 = arith.addf %get3A_634, %get3A_636 : vector<16xf32>
    %add3A_683 = arith.addf %get3A_638, %get3A_640 : vector<16xf32>
    %add3A_684 = arith.addf %get3A_642, %get3A_644 : vector<16xf32>
    %add3A_685 = arith.addf %get3A_646, %get3A_648 : vector<16xf32>
    %add3A_686 = arith.addf %get3A_650, %get3A_652 : vector<16xf32>
    %add3A_687 = arith.addf %get3A_654, %get3A_656 : vector<16xf32>
    %add3A_688 = arith.addf %get3A_658, %get3A_660 : vector<16xf32>
    %add3A_689 = arith.addf %get3A_662, %get3A_664 : vector<16xf32>
    %add3A_690 = arith.addf %get3A_666, %get3A_668 : vector<16xf32>
    %add3A_691 = arith.addf %get3A_670, %get3A_672 : vector<16xf32>
    %add3A_692 = arith.addf %get3A_674, %get3A_676 : vector<16xf32>
    %add3A_693 = arith.addf %add3A_677, %add3A_678 : vector<16xf32>
    %add3A_694 = arith.addf %add3A_679, %add3A_680 : vector<16xf32>
    %add3A_695 = arith.addf %add3A_681, %add3A_682 : vector<16xf32>
    %add3A_696 = arith.addf %add3A_683, %add3A_684 : vector<16xf32>
    %add3A_697 = arith.addf %add3A_685, %add3A_686 : vector<16xf32>
    %add3A_698 = arith.addf %add3A_687, %add3A_688 : vector<16xf32>
    %add3A_699 = arith.addf %add3A_689, %add3A_690 : vector<16xf32>
    %add3A_700 = arith.addf %add3A_691, %add3A_692 : vector<16xf32>
    %add3A_701 = arith.addf %add3A_693, %add3A_694 : vector<16xf32>
    %add3A_702 = arith.addf %add3A_695, %add3A_696 : vector<16xf32>
    %add3A_703 = arith.addf %add3A_697, %add3A_698 : vector<16xf32>
    %add3A_704 = arith.addf %add3A_699, %add3A_700 : vector<16xf32>
    %add3A_705 = arith.addf %add3A_701, %add3A_702 : vector<16xf32>
    %add3A_706 = arith.addf %add3A_703, %add3A_704 : vector<16xf32>
    %sub3A_707 = arith.constant 1.000000e+00 : f32
    %sub3A_708 = vector.broadcast %sub3A_707 : f32 to vector<16xf32>
    %sub3A_709 = arith.subf %sub3A_708, %add3A_706 : vector<16xf32>
    %mul3A_710 = arith.constant 1.000000e+01 : f32
    %mul3A_711 = vector.broadcast %mul3A_710 : f32 to vector<16xf32>
    %mul3A_712 = arith.mulf %mul3A_711, %sub3A_709 : vector<16xf32>
    %abs3A_713 = math.absf %mul3A_712 : vector<16xf32>
    %neg3A_714 = arith.constant 0.000000e+00 : f32
    %neg3A_715 = vector.broadcast %neg3A_714 : f32 to vector<16xf32>
    %neg3A_716 = arith.subf %neg3A_715, %abs3A_713 : vector<16xf32>
    %exp3A_717 = math.exp %neg3A_716 : vector<16xf32>
    %ge3A_718 = arith.constant 0.000000e+00 : f32
    %ge3A_719 = vector.broadcast %ge3A_718 : f32 to vector<16xf32>
    %ge3A_720 = arith.cmpf oge, %mul3A_712, %ge3A_719 : vector<16xf32>
    %add3A_721 = arith.constant 1.000000e+00 : f32
    %add3A_722 = vector.broadcast %add3A_721 : f32 to vector<16xf32>
    %add3A_723 = arith.addf %add3A_722, %exp3A_717 : vector<16xf32>
    %div3A_724 = arith.constant 1.000000e+00 : f32
    %div3A_725 = vector.broadcast %div3A_724 : f32 to vector<16xf32>
    %div3A_726 = arith.divf %div3A_725, %add3A_723 : vector<16xf32>
    %add3A_727 = arith.constant 1.000000e+00 : f32
    %add3A_728 = vector.broadcast %add3A_727 : f32 to vector<16xf32>
    %add3A_729 = arith.addf %add3A_728, %exp3A_717 : vector<16xf32>
    %div3A_730 = arith.divf %exp3A_717, %add3A_729 : vector<16xf32>
    %select_n3A_731 = arith.select %ge3A_720, %div3A_726, %div3A_730 : vector<16xi1>, vector<16xf32>
    %add3A_732 = arith.constant 1.000000e-10 : f32
    %add3A_733 = vector.broadcast %add3A_732 : f32 to vector<16xf32>
    %add3A_734 = arith.addf %select_n3A_731, %add3A_733 : vector<16xf32>
    %bitcast_convert_type3A_735 = tpu.bitcast %add3A_734 : vector<16xf32> -> vector<16xi32>
    %shift_right_arithmetic3A_736 = arith.constant 23 : i32
    %shift_right_arithmetic3A_737 = vector.broadcast %shift_right_arithmetic3A_736 : i32 to vector<16xi32>
    %shift_right_arithmetic3A_738 = arith.shrsi %bitcast_convert_type3A_735, %shift_right_arithmetic3A_737 : vector<16xi32>
    %sub3A_739 = arith.constant 127 : i32
    %sub3A_740 = vector.broadcast %sub3A_739 : i32 to vector<16xi32>
    %sub3A_741 = arith.subi %shift_right_arithmetic3A_738, %sub3A_740 : vector<16xi32>
    %and3A_742 = arith.constant 8388607 : i32
    %and3A_743 = vector.broadcast %and3A_742 : i32 to vector<16xi32>
    %and3A_744 = arith.andi %bitcast_convert_type3A_735, %and3A_743 : vector<16xi32>
    %or3A_745 = arith.constant 1065353216 : i32
    %or3A_746 = vector.broadcast %or3A_745 : i32 to vector<16xi32>
    %or3A_747 = arith.ori %and3A_744, %or3A_746 : vector<16xi32>
    %bitcast_convert_type3A_748 = tpu.bitcast %or3A_747 : vector<16xi32> -> vector<16xf32>
    %gt3A_749 = arith.constant 1.41421354 : f32
    %gt3A_750 = vector.broadcast %gt3A_749 : f32 to vector<16xf32>
    %gt3A_751 = arith.cmpf ogt, %bitcast_convert_type3A_748, %gt3A_750 : vector<16xf32>
    %mul3A_752 = arith.constant 5.000000e-01 : f32
    %mul3A_753 = vector.broadcast %mul3A_752 : f32 to vector<16xf32>
    %mul3A_754 = arith.mulf %bitcast_convert_type3A_748, %mul3A_753 : vector<16xf32>
    %select_n3A_755 = arith.select %gt3A_751, %mul3A_754, %bitcast_convert_type3A_748 : vector<16xi1>, vector<16xf32>
    %add3A_756 = arith.constant 1 : i32
    %add3A_757 = vector.broadcast %add3A_756 : i32 to vector<16xi32>
    %add3A_758 = arith.addi %sub3A_741, %add3A_757 : vector<16xi32>
    %select_n3A_759 = arith.select %gt3A_751, %add3A_758, %sub3A_741 : vector<16xi1>, vector<16xi32>
    %sub3A_760 = arith.constant 1.000000e+00 : f32
    %sub3A_761 = vector.broadcast %sub3A_760 : f32 to vector<16xf32>
    %sub3A_762 = arith.subf %select_n3A_755, %sub3A_761 : vector<16xf32>
    %add3A_763 = arith.constant 1.000000e+00 : f32
    %add3A_764 = vector.broadcast %add3A_763 : f32 to vector<16xf32>
    %add3A_765 = arith.addf %select_n3A_755, %add3A_764 : vector<16xf32>
    %div3A_766 = arith.divf %sub3A_762, %add3A_765 : vector<16xf32>
    %mul3A_767 = arith.mulf %div3A_766, %div3A_766 : vector<16xf32>
    %mul3A_768 = arith.constant 0.285714298 : f32
    %mul3A_769 = vector.broadcast %mul3A_768 : f32 to vector<16xf32>
    %mul3A_770 = arith.mulf %mul3A_767, %mul3A_769 : vector<16xf32>
    %add3A_771 = arith.constant 4.000000e-01 : f32
    %add3A_772 = vector.broadcast %add3A_771 : f32 to vector<16xf32>
    %add3A_773 = arith.addf %add3A_772, %mul3A_770 : vector<16xf32>
    %mul3A_774 = arith.mulf %mul3A_767, %add3A_773 : vector<16xf32>
    %add3A_775 = arith.constant 0.666666686 : f32
    %add3A_776 = vector.broadcast %add3A_775 : f32 to vector<16xf32>
    %add3A_777 = arith.addf %add3A_776, %mul3A_774 : vector<16xf32>
    %mul3A_778 = arith.mulf %mul3A_767, %add3A_777 : vector<16xf32>
    %add3A_779 = arith.constant 2.000000e+00 : f32
    %add3A_780 = vector.broadcast %add3A_779 : f32 to vector<16xf32>
    %add3A_781 = arith.addf %add3A_780, %mul3A_778 : vector<16xf32>
    %mul3A_782 = arith.mulf %div3A_766, %add3A_781 : vector<16xf32>
    %convert_element_type3A_783 = arith.sitofp %select_n3A_759 : vector<16xi32> to vector<16xf32>
    %mul3A_784 = arith.constant 0.693147182 : f32
    %mul3A_785 = vector.broadcast %mul3A_784 : f32 to vector<16xf32>
    %mul3A_786 = arith.mulf %convert_element_type3A_783, %mul3A_785 : vector<16xf32>
    %add3A_787 = arith.addf %mul3A_786, %mul3A_782 : vector<16xf32>
    %sub3A_788 = arith.constant 5.000000e+00 : f32
    %sub3A_789 = vector.broadcast %sub3A_788 : f32 to vector<16xf32>
    %sub3A_790 = arith.subf %sub3A_789, %add3A_705 : vector<16xf32>
    %mul3A_791 = arith.constant 1.000000e+01 : f32
    %mul3A_792 = vector.broadcast %mul3A_791 : f32 to vector<16xf32>
    %mul3A_793 = arith.mulf %mul3A_792, %sub3A_790 : vector<16xf32>
    %abs3A_794 = math.absf %mul3A_793 : vector<16xf32>
    %neg3A_795 = arith.constant 0.000000e+00 : f32
    %neg3A_796 = vector.broadcast %neg3A_795 : f32 to vector<16xf32>
    %neg3A_797 = arith.subf %neg3A_796, %abs3A_794 : vector<16xf32>
    %exp3A_798 = math.exp %neg3A_797 : vector<16xf32>
    %ge3A_799 = arith.constant 0.000000e+00 : f32
    %ge3A_800 = vector.broadcast %ge3A_799 : f32 to vector<16xf32>
    %ge3A_801 = arith.cmpf oge, %mul3A_793, %ge3A_800 : vector<16xf32>
    %add3A_802 = arith.constant 1.000000e+00 : f32
    %add3A_803 = vector.broadcast %add3A_802 : f32 to vector<16xf32>
    %add3A_804 = arith.addf %add3A_803, %exp3A_798 : vector<16xf32>
    %div3A_805 = arith.constant 1.000000e+00 : f32
    %div3A_806 = vector.broadcast %div3A_805 : f32 to vector<16xf32>
    %div3A_807 = arith.divf %div3A_806, %add3A_804 : vector<16xf32>
    %add3A_808 = arith.constant 1.000000e+00 : f32
    %add3A_809 = vector.broadcast %add3A_808 : f32 to vector<16xf32>
    %add3A_810 = arith.addf %add3A_809, %exp3A_798 : vector<16xf32>
    %div3A_811 = arith.divf %exp3A_798, %add3A_810 : vector<16xf32>
    %select_n3A_812 = arith.select %ge3A_801, %div3A_807, %div3A_811 : vector<16xi1>, vector<16xf32>
    %add3A_813 = arith.constant 1.000000e-10 : f32
    %add3A_814 = vector.broadcast %add3A_813 : f32 to vector<16xf32>
    %add3A_815 = arith.addf %select_n3A_812, %add3A_814 : vector<16xf32>
    %bitcast_convert_type3A_816 = tpu.bitcast %add3A_815 : vector<16xf32> -> vector<16xi32>
    %shift_right_arithmetic3A_817 = arith.constant 23 : i32
    %shift_right_arithmetic3A_818 = vector.broadcast %shift_right_arithmetic3A_817 : i32 to vector<16xi32>
    %shift_right_arithmetic3A_819 = arith.shrsi %bitcast_convert_type3A_816, %shift_right_arithmetic3A_818 : vector<16xi32>
    %sub3A_820 = arith.constant 127 : i32
    %sub3A_821 = vector.broadcast %sub3A_820 : i32 to vector<16xi32>
    %sub3A_822 = arith.subi %shift_right_arithmetic3A_819, %sub3A_821 : vector<16xi32>
    %and3A_823 = arith.constant 8388607 : i32
    %and3A_824 = vector.broadcast %and3A_823 : i32 to vector<16xi32>
    %and3A_825 = arith.andi %bitcast_convert_type3A_816, %and3A_824 : vector<16xi32>
    %or3A_826 = arith.constant 1065353216 : i32
    %or3A_827 = vector.broadcast %or3A_826 : i32 to vector<16xi32>
    %or3A_828 = arith.ori %and3A_825, %or3A_827 : vector<16xi32>
    %bitcast_convert_type3A_829 = tpu.bitcast %or3A_828 : vector<16xi32> -> vector<16xf32>
    %gt3A_830 = arith.constant 1.41421354 : f32
    %gt3A_831 = vector.broadcast %gt3A_830 : f32 to vector<16xf32>
    %gt3A_832 = arith.cmpf ogt, %bitcast_convert_type3A_829, %gt3A_831 : vector<16xf32>
    %mul3A_833 = arith.constant 5.000000e-01 : f32
    %mul3A_834 = vector.broadcast %mul3A_833 : f32 to vector<16xf32>
    %mul3A_835 = arith.mulf %bitcast_convert_type3A_829, %mul3A_834 : vector<16xf32>
    %select_n3A_836 = arith.select %gt3A_832, %mul3A_835, %bitcast_convert_type3A_829 : vector<16xi1>, vector<16xf32>
    %add3A_837 = arith.constant 1 : i32
    %add3A_838 = vector.broadcast %add3A_837 : i32 to vector<16xi32>
    %add3A_839 = arith.addi %sub3A_822, %add3A_838 : vector<16xi32>
    %select_n3A_840 = arith.select %gt3A_832, %add3A_839, %sub3A_822 : vector<16xi1>, vector<16xi32>
    %sub3A_841 = arith.constant 1.000000e+00 : f32
    %sub3A_842 = vector.broadcast %sub3A_841 : f32 to vector<16xf32>
    %sub3A_843 = arith.subf %select_n3A_836, %sub3A_842 : vector<16xf32>
    %add3A_844 = arith.constant 1.000000e+00 : f32
    %add3A_845 = vector.broadcast %add3A_844 : f32 to vector<16xf32>
    %add3A_846 = arith.addf %select_n3A_836, %add3A_845 : vector<16xf32>
    %div3A_847 = arith.divf %sub3A_843, %add3A_846 : vector<16xf32>
    %mul3A_848 = arith.mulf %div3A_847, %div3A_847 : vector<16xf32>
    %mul3A_849 = arith.constant 0.285714298 : f32
    %mul3A_850 = vector.broadcast %mul3A_849 : f32 to vector<16xf32>
    %mul3A_851 = arith.mulf %mul3A_848, %mul3A_850 : vector<16xf32>
    %add3A_852 = arith.constant 4.000000e-01 : f32
    %add3A_853 = vector.broadcast %add3A_852 : f32 to vector<16xf32>
    %add3A_854 = arith.addf %add3A_853, %mul3A_851 : vector<16xf32>
    %mul3A_855 = arith.mulf %mul3A_848, %add3A_854 : vector<16xf32>
    %add3A_856 = arith.constant 0.666666686 : f32
    %add3A_857 = vector.broadcast %add3A_856 : f32 to vector<16xf32>
    %add3A_858 = arith.addf %add3A_857, %mul3A_855 : vector<16xf32>
    %mul3A_859 = arith.mulf %mul3A_848, %add3A_858 : vector<16xf32>
    %add3A_860 = arith.constant 2.000000e+00 : f32
    %add3A_861 = vector.broadcast %add3A_860 : f32 to vector<16xf32>
    %add3A_862 = arith.addf %add3A_861, %mul3A_859 : vector<16xf32>
    %mul3A_863 = arith.mulf %div3A_847, %add3A_862 : vector<16xf32>
    %convert_element_type3A_864 = arith.sitofp %select_n3A_840 : vector<16xi32> to vector<16xf32>
    %mul3A_865 = arith.constant 0.693147182 : f32
    %mul3A_866 = vector.broadcast %mul3A_865 : f32 to vector<16xf32>
    %mul3A_867 = arith.mulf %convert_element_type3A_864, %mul3A_866 : vector<16xf32>
    %add3A_868 = arith.addf %mul3A_867, %mul3A_863 : vector<16xf32>
    %swap3A_869 = arith.constant 32 : index
    %swap3A_870 = tpu.vector_load %arg14[%swap3A_869] {strides = array<i32>} : memref<128xf32, #tpu.memory_space<vmem>>, vector<16xf32>,
    tpu.vector_store %arg14[%swap3A_869], %add3A_787 {strides = array<i32>} : memref<128xf32, #tpu.memory_space<vmem>>, vector<16xf32>,
    %swap3A_871 = arith.constant 96 : index
    %swap3A_872 = tpu.vector_load %arg14[%swap3A_871] {strides = array<i32>} : memref<128xf32, #tpu.memory_space<vmem>>, vector<16xf32>,
    tpu.vector_store %arg14[%swap3A_871], %add3A_868 {strides = array<i32>} : memref<128xf32, #tpu.memory_space<vmem>>, vector<16xf32>,
    %get3A_873 = arith.constant 48 : index
    %get3A_874 = tpu.vector_load %arg13[%get3A_873] {strides = array<i32>} : memref<2048xf32, #tpu.memory_space<vmem>>, vector<16xf32>,
    %get3A_875 = arith.constant 112 : index
    %get3A_876 = tpu.vector_load %arg13[%get3A_875] {strides = array<i32>} : memref<2048xf32, #tpu.memory_space<vmem>>, vector<16xf32>,
    %get3A_877 = arith.constant 176 : index
    %get3A_878 = tpu.vector_load %arg13[%get3A_877] {strides = array<i32>} : memref<2048xf32, #tpu.memory_space<vmem>>, vector<16xf32>,
    %get3A_879 = arith.constant 240 : index
    %get3A_880 = tpu.vector_load %arg13[%get3A_879] {strides = array<i32>} : memref<2048xf32, #tpu.memory_space<vmem>>, vector<16xf32>,
    %get3A_881 = arith.constant 304 : index
    %get3A_882 = tpu.vector_load %arg13[%get3A_881] {strides = array<i32>} : memref<2048xf32, #tpu.memory_space<vmem>>, vector<16xf32>,
    %get3A_883 = arith.constant 368 : index
    %get3A_884 = tpu.vector_load %arg13[%get3A_883] {strides = array<i32>} : memref<2048xf32, #tpu.memory_space<vmem>>, vector<16xf32>,
    %get3A_885 = arith.constant 432 : index
    %get3A_886 = tpu.vector_load %arg13[%get3A_885] {strides = array<i32>} : memref<2048xf32, #tpu.memory_space<vmem>>, vector<16xf32>,
    %get3A_887 = arith.constant 496 : index
    %get3A_888 = tpu.vector_load %arg13[%get3A_887] {strides = array<i32>} : memref<2048xf32, #tpu.memory_space<vmem>>, vector<16xf32>,
    %get3A_889 = arith.constant 560 : index
    %get3A_890 = tpu.vector_load %arg13[%get3A_889] {strides = array<i32>} : memref<2048xf32, #tpu.memory_space<vmem>>, vector<16xf32>,
    %get3A_891 = arith.constant 624 : index
    %get3A_892 = tpu.vector_load %arg13[%get3A_891] {strides = array<i32>} : memref<2048xf32, #tpu.memory_space<vmem>>, vector<16xf32>,
    %get3A_893 = arith.constant 688 : index
    %get3A_894 = tpu.vector_load %arg13[%get3A_893] {strides = array<i32>} : memref<2048xf32, #tpu.memory_space<vmem>>, vector<16xf32>,
    %get3A_895 = arith.constant 752 : index
    %get3A_896 = tpu.vector_load %arg13[%get3A_895] {strides = array<i32>} : memref<2048xf32, #tpu.memory_space<vmem>>, vector<16xf32>,
    %get3A_897 = arith.constant 816 : index
    %get3A_898 = tpu.vector_load %arg13[%get3A_897] {strides = array<i32>} : memref<2048xf32, #tpu.memory_space<vmem>>, vector<16xf32>,
    %get3A_899 = arith.constant 880 : index
    %get3A_900 = tpu.vector_load %arg13[%get3A_899] {strides = array<i32>} : memref<2048xf32, #tpu.memory_space<vmem>>, vector<16xf32>,
    %get3A_901 = arith.constant 944 : index
    %get3A_902 = tpu.vector_load %arg13[%get3A_901] {strides = array<i32>} : memref<2048xf32, #tpu.memory_space<vmem>>, vector<16xf32>,
    %get3A_903 = arith.constant 1008 : index
    %get3A_904 = tpu.vector_load %arg13[%get3A_903] {strides = array<i32>} : memref<2048xf32, #tpu.memory_space<vmem>>, vector<16xf32>,
    %get3A_905 = arith.constant 1072 : index
    %get3A_906 = tpu.vector_load %arg13[%get3A_905] {strides = array<i32>} : memref<2048xf32, #tpu.memory_space<vmem>>, vector<16xf32>,
    %get3A_907 = arith.constant 1136 : index
    %get3A_908 = tpu.vector_load %arg13[%get3A_907] {strides = array<i32>} : memref<2048xf32, #tpu.memory_space<vmem>>, vector<16xf32>,
    %get3A_909 = arith.constant 1200 : index
    %get3A_910 = tpu.vector_load %arg13[%get3A_909] {strides = array<i32>} : memref<2048xf32, #tpu.memory_space<vmem>>, vector<16xf32>,
    %get3A_911 = arith.constant 1264 : index
    %get3A_912 = tpu.vector_load %arg13[%get3A_911] {strides = array<i32>} : memref<2048xf32, #tpu.memory_space<vmem>>, vector<16xf32>,
    %get3A_913 = arith.constant 1328 : index
    %get3A_914 = tpu.vector_load %arg13[%get3A_913] {strides = array<i32>} : memref<2048xf32, #tpu.memory_space<vmem>>, vector<16xf32>,
    %get3A_915 = arith.constant 1392 : index
    %get3A_916 = tpu.vector_load %arg13[%get3A_915] {strides = array<i32>} : memref<2048xf32, #tpu.memory_space<vmem>>, vector<16xf32>,
    %get3A_917 = arith.constant 1456 : index
    %get3A_918 = tpu.vector_load %arg13[%get3A_917] {strides = array<i32>} : memref<2048xf32, #tpu.memory_space<vmem>>, vector<16xf32>,
    %get3A_919 = arith.constant 1520 : index
    %get3A_920 = tpu.vector_load %arg13[%get3A_919] {strides = array<i32>} : memref<2048xf32, #tpu.memory_space<vmem>>, vector<16xf32>,
    %get3A_921 = arith.constant 1584 : index
    %get3A_922 = tpu.vector_load %arg13[%get3A_921] {strides = array<i32>} : memref<2048xf32, #tpu.memory_space<vmem>>, vector<16xf32>,
    %get3A_923 = arith.constant 1648 : index
    %get3A_924 = tpu.vector_load %arg13[%get3A_923] {strides = array<i32>} : memref<2048xf32, #tpu.memory_space<vmem>>, vector<16xf32>,
    %get3A_925 = arith.constant 1712 : index
    %get3A_926 = tpu.vector_load %arg13[%get3A_925] {strides = array<i32>} : memref<2048xf32, #tpu.memory_space<vmem>>, vector<16xf32>,
    %get3A_927 = arith.constant 1776 : index
    %get3A_928 = tpu.vector_load %arg13[%get3A_927] {strides = array<i32>} : memref<2048xf32, #tpu.memory_space<vmem>>, vector<16xf32>,
    %get3A_929 = arith.constant 1840 : index
    %get3A_930 = tpu.vector_load %arg13[%get3A_929] {strides = array<i32>} : memref<2048xf32, #tpu.memory_space<vmem>>, vector<16xf32>,
    %get3A_931 = arith.constant 1904 : index
    %get3A_932 = tpu.vector_load %arg13[%get3A_931] {strides = array<i32>} : memref<2048xf32, #tpu.memory_space<vmem>>, vector<16xf32>,
    %get3A_933 = arith.constant 1968 : index
    %get3A_934 = tpu.vector_load %arg13[%get3A_933] {strides = array<i32>} : memref<2048xf32, #tpu.memory_space<vmem>>, vector<16xf32>,
    %get3A_935 = arith.constant 2032 : index
    %get3A_936 = tpu.vector_load %arg13[%get3A_935] {strides = array<i32>} : memref<2048xf32, #tpu.memory_space<vmem>>, vector<16xf32>,
    %add3A_937 = arith.addf %get3A_874, %get3A_876 : vector<16xf32>
    %add3A_938 = arith.addf %get3A_878, %get3A_880 : vector<16xf32>
    %add3A_939 = arith.addf %get3A_882, %get3A_884 : vector<16xf32>
    %add3A_940 = arith.addf %get3A_886, %get3A_888 : vector<16xf32>
    %add3A_941 = arith.addf %get3A_890, %get3A_892 : vector<16xf32>
    %add3A_942 = arith.addf %get3A_894, %get3A_896 : vector<16xf32>
    %add3A_943 = arith.addf %get3A_898, %get3A_900 : vector<16xf32>
    %add3A_944 = arith.addf %get3A_902, %get3A_904 : vector<16xf32>
    %add3A_945 = arith.addf %get3A_906, %get3A_908 : vector<16xf32>
    %add3A_946 = arith.addf %get3A_910, %get3A_912 : vector<16xf32>
    %add3A_947 = arith.addf %get3A_914, %get3A_916 : vector<16xf32>
    %add3A_948 = arith.addf %get3A_918, %get3A_920 : vector<16xf32>
    %add3A_949 = arith.addf %get3A_922, %get3A_924 : vector<16xf32>
    %add3A_950 = arith.addf %get3A_926, %get3A_928 : vector<16xf32>
    %add3A_951 = arith.addf %get3A_930, %get3A_932 : vector<16xf32>
    %add3A_952 = arith.addf %get3A_934, %get3A_936 : vector<16xf32>
    %add3A_953 = arith.addf %add3A_937, %add3A_938 : vector<16xf32>
    %add3A_954 = arith.addf %add3A_939, %add3A_940 : vector<16xf32>
    %add3A_955 = arith.addf %add3A_941, %add3A_942 : vector<16xf32>
    %add3A_956 = arith.addf %add3A_943, %add3A_944 : vector<16xf32>
    %add3A_957 = arith.addf %add3A_945, %add3A_946 : vector<16xf32>
    %add3A_958 = arith.addf %add3A_947, %add3A_948 : vector<16xf32>
    %add3A_959 = arith.addf %add3A_949, %add3A_950 : vector<16xf32>
    %add3A_960 = arith.addf %add3A_951, %add3A_952 : vector<16xf32>
    %add3A_961 = arith.addf %add3A_953, %add3A_954 : vector<16xf32>
    %add3A_962 = arith.addf %add3A_955, %add3A_956 : vector<16xf32>
    %add3A_963 = arith.addf %add3A_957, %add3A_958 : vector<16xf32>
    %add3A_964 = arith.addf %add3A_959, %add3A_960 : vector<16xf32>
    %add3A_965 = arith.addf %add3A_961, %add3A_962 : vector<16xf32>
    %add3A_966 = arith.addf %add3A_963, %add3A_964 : vector<16xf32>
    %sub3A_967 = arith.constant 1.000000e+00 : f32
    %sub3A_968 = vector.broadcast %sub3A_967 : f32 to vector<16xf32>
    %sub3A_969 = arith.subf %sub3A_968, %add3A_966 : vector<16xf32>
    %mul3A_970 = arith.constant 1.000000e+01 : f32
    %mul3A_971 = vector.broadcast %mul3A_970 : f32 to vector<16xf32>
    %mul3A_972 = arith.mulf %mul3A_971, %sub3A_969 : vector<16xf32>
    %abs3A_973 = math.absf %mul3A_972 : vector<16xf32>
    %neg3A_974 = arith.constant 0.000000e+00 : f32
    %neg3A_975 = vector.broadcast %neg3A_974 : f32 to vector<16xf32>
    %neg3A_976 = arith.subf %neg3A_975, %abs3A_973 : vector<16xf32>
    %exp3A_977 = math.exp %neg3A_976 : vector<16xf32>
    %ge3A_978 = arith.constant 0.000000e+00 : f32
    %ge3A_979 = vector.broadcast %ge3A_978 : f32 to vector<16xf32>
    %ge3A_980 = arith.cmpf oge, %mul3A_972, %ge3A_979 : vector<16xf32>
    %add3A_981 = arith.constant 1.000000e+00 : f32
    %add3A_982 = vector.broadcast %add3A_981 : f32 to vector<16xf32>
    %add3A_983 = arith.addf %add3A_982, %exp3A_977 : vector<16xf32>
    %div3A_984 = arith.constant 1.000000e+00 : f32
    %div3A_985 = vector.broadcast %div3A_984 : f32 to vector<16xf32>
    %div3A_986 = arith.divf %div3A_985, %add3A_983 : vector<16xf32>
    %add3A_987 = arith.constant 1.000000e+00 : f32
    %add3A_988 = vector.broadcast %add3A_987 : f32 to vector<16xf32>
    %add3A_989 = arith.addf %add3A_988, %exp3A_977 : vector<16xf32>
    %div3A_990 = arith.divf %exp3A_977, %add3A_989 : vector<16xf32>
    %select_n3A_991 = arith.select %ge3A_980, %div3A_986, %div3A_990 : vector<16xi1>, vector<16xf32>
    %add3A_992 = arith.constant 1.000000e-10 : f32
    %add3A_993 = vector.broadcast %add3A_992 : f32 to vector<16xf32>
    %add3A_994 = arith.addf %select_n3A_991, %add3A_993 : vector<16xf32>
    %bitcast_convert_type3A_995 = tpu.bitcast %add3A_994 : vector<16xf32> -> vector<16xi32>
    %shift_right_arithmetic3A_996 = arith.constant 23 : i32
    %shift_right_arithmetic3A_997 = vector.broadcast %shift_right_arithmetic3A_996 : i32 to vector<16xi32>
    %shift_right_arithmetic3A_998 = arith.shrsi %bitcast_convert_type3A_995, %shift_right_arithmetic3A_997 : vector<16xi32>
    %sub3A_999 = arith.constant 127 : i32
    %sub3A_1000 = vector.broadcast %sub3A_999 : i32 to vector<16xi32>
    %sub3A_1001 = arith.subi %shift_right_arithmetic3A_998, %sub3A_1000 : vector<16xi32>
    %and3A_1002 = arith.constant 8388607 : i32
    %and3A_1003 = vector.broadcast %and3A_1002 : i32 to vector<16xi32>
    %and3A_1004 = arith.andi %bitcast_convert_type3A_995, %and3A_1003 : vector<16xi32>
    %or3A_1005 = arith.constant 1065353216 : i32
    %or3A_1006 = vector.broadcast %or3A_1005 : i32 to vector<16xi32>
    %or3A_1007 = arith.ori %and3A_1004, %or3A_1006 : vector<16xi32>
    %bitcast_convert_type3A_1008 = tpu.bitcast %or3A_1007 : vector<16xi32> -> vector<16xf32>
    %gt3A_1009 = arith.constant 1.41421354 : f32
    %gt3A_1010 = vector.broadcast %gt3A_1009 : f32 to vector<16xf32>
    %gt3A_1011 = arith.cmpf ogt, %bitcast_convert_type3A_1008, %gt3A_1010 : vector<16xf32>
    %mul3A_1012 = arith.constant 5.000000e-01 : f32
    %mul3A_1013 = vector.broadcast %mul3A_1012 : f32 to vector<16xf32>
    %mul3A_1014 = arith.mulf %bitcast_convert_type3A_1008, %mul3A_1013 : vector<16xf32>
    %select_n3A_1015 = arith.select %gt3A_1011, %mul3A_1014, %bitcast_convert_type3A_1008 : vector<16xi1>, vector<16xf32>
    %add3A_1016 = arith.constant 1 : i32
    %add3A_1017 = vector.broadcast %add3A_1016 : i32 to vector<16xi32>
    %add3A_1018 = arith.addi %sub3A_1001, %add3A_1017 : vector<16xi32>
    %select_n3A_1019 = arith.select %gt3A_1011, %add3A_1018, %sub3A_1001 : vector<16xi1>, vector<16xi32>
    %sub3A_1020 = arith.constant 1.000000e+00 : f32
    %sub3A_1021 = vector.broadcast %sub3A_1020 : f32 to vector<16xf32>
    %sub3A_1022 = arith.subf %select_n3A_1015, %sub3A_1021 : vector<16xf32>
    %add3A_1023 = arith.constant 1.000000e+00 : f32
    %add3A_1024 = vector.broadcast %add3A_1023 : f32 to vector<16xf32>
    %add3A_1025 = arith.addf %select_n3A_1015, %add3A_1024 : vector<16xf32>
    %div3A_1026 = arith.divf %sub3A_1022, %add3A_1025 : vector<16xf32>
    %mul3A_1027 = arith.mulf %div3A_1026, %div3A_1026 : vector<16xf32>
    %mul3A_1028 = arith.constant 0.285714298 : f32
    %mul3A_1029 = vector.broadcast %mul3A_1028 : f32 to vector<16xf32>
    %mul3A_1030 = arith.mulf %mul3A_1027, %mul3A_1029 : vector<16xf32>
    %add3A_1031 = arith.constant 4.000000e-01 : f32
    %add3A_1032 = vector.broadcast %add3A_1031 : f32 to vector<16xf32>
    %add3A_1033 = arith.addf %add3A_1032, %mul3A_1030 : vector<16xf32>
    %mul3A_1034 = arith.mulf %mul3A_1027, %add3A_1033 : vector<16xf32>
    %add3A_1035 = arith.constant 0.666666686 : f32
    %add3A_1036 = vector.broadcast %add3A_1035 : f32 to vector<16xf32>
    %add3A_1037 = arith.addf %add3A_1036, %mul3A_1034 : vector<16xf32>
    %mul3A_1038 = arith.mulf %mul3A_1027, %add3A_1037 : vector<16xf32>
    %add3A_1039 = arith.constant 2.000000e+00 : f32
    %add3A_1040 = vector.broadcast %add3A_1039 : f32 to vector<16xf32>
    %add3A_1041 = arith.addf %add3A_1040, %mul3A_1038 : vector<16xf32>
    %mul3A_1042 = arith.mulf %div3A_1026, %add3A_1041 : vector<16xf32>
    %convert_element_type3A_1043 = arith.sitofp %select_n3A_1019 : vector<16xi32> to vector<16xf32>
    %mul3A_1044 = arith.constant 0.693147182 : f32
    %mul3A_1045 = vector.broadcast %mul3A_1044 : f32 to vector<16xf32>
    %mul3A_1046 = arith.mulf %convert_element_type3A_1043, %mul3A_1045 : vector<16xf32>
    %add3A_1047 = arith.addf %mul3A_1046, %mul3A_1042 : vector<16xf32>
    %sub3A_1048 = arith.constant 5.000000e+00 : f32
    %sub3A_1049 = vector.broadcast %sub3A_1048 : f32 to vector<16xf32>
    %sub3A_1050 = arith.subf %sub3A_1049, %add3A_965 : vector<16xf32>
    %mul3A_1051 = arith.constant 1.000000e+01 : f32
    %mul3A_1052 = vector.broadcast %mul3A_1051 : f32 to vector<16xf32>
    %mul3A_1053 = arith.mulf %mul3A_1052, %sub3A_1050 : vector<16xf32>
    %abs3A_1054 = math.absf %mul3A_1053 : vector<16xf32>
    %neg3A_1055 = arith.constant 0.000000e+00 : f32
    %neg3A_1056 = vector.broadcast %neg3A_1055 : f32 to vector<16xf32>
    %neg3A_1057 = arith.subf %neg3A_1056, %abs3A_1054 : vector<16xf32>
    %exp3A_1058 = math.exp %neg3A_1057 : vector<16xf32>
    %ge3A_1059 = arith.constant 0.000000e+00 : f32
    %ge3A_1060 = vector.broadcast %ge3A_1059 : f32 to vector<16xf32>
    %ge3A_1061 = arith.cmpf oge, %mul3A_1053, %ge3A_1060 : vector<16xf32>
    %add3A_1062 = arith.constant 1.000000e+00 : f32
    %add3A_1063 = vector.broadcast %add3A_1062 : f32 to vector<16xf32>
    %add3A_1064 = arith.addf %add3A_1063, %exp3A_1058 : vector<16xf32>
    %div3A_1065 = arith.constant 1.000000e+00 : f32
    %div3A_1066 = vector.broadcast %div3A_1065 : f32 to vector<16xf32>
    %div3A_1067 = arith.divf %div3A_1066, %add3A_1064 : vector<16xf32>
    %add3A_1068 = arith.constant 1.000000e+00 : f32
    %add3A_1069 = vector.broadcast %add3A_1068 : f32 to vector<16xf32>
    %add3A_1070 = arith.addf %add3A_1069, %exp3A_1058 : vector<16xf32>
    %div3A_1071 = arith.divf %exp3A_1058, %add3A_1070 : vector<16xf32>
    %select_n3A_1072 = arith.select %ge3A_1061, %div3A_1067, %div3A_1071 : vector<16xi1>, vector<16xf32>
    %add3A_1073 = arith.constant 1.000000e-10 : f32
    %add3A_1074 = vector.broadcast %add3A_1073 : f32 to vector<16xf32>
    %add3A_1075 = arith.addf %select_n3A_1072, %add3A_1074 : vector<16xf32>
    %bitcast_convert_type3A_1076 = tpu.bitcast %add3A_1075 : vector<16xf32> -> vector<16xi32>
    %shift_right_arithmetic3A_1077 = arith.constant 23 : i32
    %shift_right_arithmetic3A_1078 = vector.broadcast %shift_right_arithmetic3A_1077 : i32 to vector<16xi32>
    %shift_right_arithmetic3A_1079 = arith.shrsi %bitcast_convert_type3A_1076, %shift_right_arithmetic3A_1078 : vector<16xi32>
    %sub3A_1080 = arith.constant 127 : i32
    %sub3A_1081 = vector.broadcast %sub3A_1080 : i32 to vector<16xi32>
    %sub3A_1082 = arith.subi %shift_right_arithmetic3A_1079, %sub3A_1081 : vector<16xi32>
    %and3A_1083 = arith.constant 8388607 : i32
    %and3A_1084 = vector.broadcast %and3A_1083 : i32 to vector<16xi32>
    %and3A_1085 = arith.andi %bitcast_convert_type3A_1076, %and3A_1084 : vector<16xi32>
    %or3A_1086 = arith.constant 1065353216 : i32
    %or3A_1087 = vector.broadcast %or3A_1086 : i32 to vector<16xi32>
    %or3A_1088 = arith.ori %and3A_1085, %or3A_1087 : vector<16xi32>
    %bitcast_convert_type3A_1089 = tpu.bitcast %or3A_1088 : vector<16xi32> -> vector<16xf32>
    %gt3A_1090 = arith.constant 1.41421354 : f32
    %gt3A_1091 = vector.broadcast %gt3A_1090 : f32 to vector<16xf32>
    %gt3A_1092 = arith.cmpf ogt, %bitcast_convert_type3A_1089, %gt3A_1091 : vector<16xf32>
    %mul3A_1093 = arith.constant 5.000000e-01 : f32
    %mul3A_1094 = vector.broadcast %mul3A_1093 : f32 to vector<16xf32>
    %mul3A_1095 = arith.mulf %bitcast_convert_type3A_1089, %mul3A_1094 : vector<16xf32>
    %select_n3A_1096 = arith.select %gt3A_1092, %mul3A_1095, %bitcast_convert_type3A_1089 : vector<16xi1>, vector<16xf32>
    %add3A_1097 = arith.constant 1 : i32
    %add3A_1098 = vector.broadcast %add3A_1097 : i32 to vector<16xi32>
    %add3A_1099 = arith.addi %sub3A_1082, %add3A_1098 : vector<16xi32>
    %select_n3A_1100 = arith.select %gt3A_1092, %add3A_1099, %sub3A_1082 : vector<16xi1>, vector<16xi32>
    %sub3A_1101 = arith.constant 1.000000e+00 : f32
    %sub3A_1102 = vector.broadcast %sub3A_1101 : f32 to vector<16xf32>
    %sub3A_1103 = arith.subf %select_n3A_1096, %sub3A_1102 : vector<16xf32>
    %add3A_1104 = arith.constant 1.000000e+00 : f32
    %add3A_1105 = vector.broadcast %add3A_1104 : f32 to vector<16xf32>
    %add3A_1106 = arith.addf %select_n3A_1096, %add3A_1105 : vector<16xf32>
    %div3A_1107 = arith.divf %sub3A_1103, %add3A_1106 : vector<16xf32>
    %mul3A_1108 = arith.mulf %div3A_1107, %div3A_1107 : vector<16xf32>
    %mul3A_1109 = arith.constant 0.285714298 : f32
    %mul3A_1110 = vector.broadcast %mul3A_1109 : f32 to vector<16xf32>
    %mul3A_1111 = arith.mulf %mul3A_1108, %mul3A_1110 : vector<16xf32>
    %add3A_1112 = arith.constant 4.000000e-01 : f32
    %add3A_1113 = vector.broadcast %add3A_1112 : f32 to vector<16xf32>
    %add3A_1114 = arith.addf %add3A_1113, %mul3A_1111 : vector<16xf32>
    %mul3A_1115 = arith.mulf %mul3A_1108, %add3A_1114 : vector<16xf32>
    %add3A_1116 = arith.constant 0.666666686 : f32
    %add3A_1117 = vector.broadcast %add3A_1116 : f32 to vector<16xf32>
    %add3A_1118 = arith.addf %add3A_1117, %mul3A_1115 : vector<16xf32>
    %mul3A_1119 = arith.mulf %mul3A_1108, %add3A_1118 : vector<16xf32>
    %add3A_1120 = arith.constant 2.000000e+00 : f32
    %add3A_1121 = vector.broadcast %add3A_1120 : f32 to vector<16xf32>
    %add3A_1122 = arith.addf %add3A_1121, %mul3A_1119 : vector<16xf32>
    %mul3A_1123 = arith.mulf %div3A_1107, %add3A_1122 : vector<16xf32>
    %convert_element_type3A_1124 = arith.sitofp %select_n3A_1100 : vector<16xi32> to vector<16xf32>
    %mul3A_1125 = arith.constant 0.693147182 : f32
    %mul3A_1126 = vector.broadcast %mul3A_1125 : f32 to vector<16xf32>
    %mul3A_1127 = arith.mulf %convert_element_type3A_1124, %mul3A_1126 : vector<16xf32>
    %add3A_1128 = arith.addf %mul3A_1127, %mul3A_1123 : vector<16xf32>
    %swap3A_1129 = arith.constant 48 : index
    %swap3A_1130 = tpu.vector_load %arg14[%swap3A_1129] {strides = array<i32>} : memref<128xf32, #tpu.memory_space<vmem>>, vector<16xf32>,
    tpu.vector_store %arg14[%swap3A_1129], %add3A_1047 {strides = array<i32>} : memref<128xf32, #tpu.memory_space<vmem>>, vector<16xf32>,
    %swap3A_1131 = arith.constant 112 : index
    %swap3A_1132 = tpu.vector_load %arg14[%swap3A_1131] {strides = array<i32>} : memref<128xf32, #tpu.memory_space<vmem>>, vector<16xf32>,
    tpu.vector_store %arg14[%swap3A_1131], %add3A_1128 {strides = array<i32>} : memref<128xf32, #tpu.memory_space<vmem>>, vector<16xf32>,
    %run_scoped3A = arith.constant 0 : i32
    "tpu.region"() ({
      %run_scoped3A_1134 = tpu.sem_alloc : memref<!tpu.dma_semaphore, #tpu.memory_space<semaphore_mem>>
      %dma_start3A_1135 = arith.constant 0 : i32
      %dma_start3A_1136 = tpu.memref_slice %arg14[%dma_start3A_1135] : memref<128xf32, #tpu.memory_space<vmem>> -> memref<64xf32, #tpu.memory_space<vmem>>
      %dma_start3A_1137 = tpu.memref_slice %arg4[%run_scoped3A, %mul3A_92] : memref<2x1024xf32, #tpu.memory_space<hbm>> -> memref<1x64xf32, #tpu.memory_space<hbm>>
      %dma_start3A_1138 = tpu.memref_squeeze %dma_start3A_1137 : memref<1x64xf32, #tpu.memory_space<hbm>> -> memref<64xf32, #tpu.memory_space<hbm>>
      %dma_start3A_1139 = tpu.memref_slice %arg4[%run_scoped3A, %mul3A_92] : memref<2x1024xf32, #tpu.memory_space<hbm>> -> memref<1x64xf32, #tpu.memory_space<hbm>>
      %dma_start3A_1140 = tpu.memref_squeeze %dma_start3A_1139 : memref<1x64xf32, #tpu.memory_space<hbm>> -> memref<64xf32, #tpu.memory_space<hbm>>
      %dma_start3A_1141 = arith.constant 0 : i32
      %dma_start3A_1142 = tpu.memref_slice %arg14[%dma_start3A_1141] : memref<128xf32, #tpu.memory_space<vmem>> -> memref<64xf32, #tpu.memory_space<vmem>>
      tpu.enqueue_dma source(%dma_start3A_1142 : memref<64xf32, #tpu.memory_space<vmem>>) target(%dma_start3A_1140 : memref<64xf32, #tpu.memory_space<hbm>>) target_semaphore(%run_scoped3A_1134 : memref<!tpu.dma_semaphore, #tpu.memory_space<semaphore_mem>>)
      %dma_wait3A_1143 = arith.constant 0 : i32
      %dma_wait3A_1144 = tpu.memref_slice %arg14[%dma_wait3A_1143] : memref<128xf32, #tpu.memory_space<vmem>> -> memref<64xf32, #tpu.memory_space<vmem>>
      %dma_wait3A_1145 = tpu.memref_slice %arg4[%run_scoped3A, %mul3A_92] : memref<2x1024xf32, #tpu.memory_space<hbm>> -> memref<1x64xf32, #tpu.memory_space<hbm>>
      %dma_wait3A_1146 = tpu.memref_squeeze %dma_wait3A_1145 : memref<1x64xf32, #tpu.memory_space<hbm>> -> memref<64xf32, #tpu.memory_space<hbm>>
      %dma_wait3A_1147 = tpu.memref_slice %arg4[%run_scoped3A, %mul3A_92] : memref<2x1024xf32, #tpu.memory_space<hbm>> -> memref<1x64xf32, #tpu.memory_space<hbm>>
      %dma_wait3A_1148 = tpu.memref_squeeze %dma_wait3A_1147 : memref<1x64xf32, #tpu.memory_space<hbm>> -> memref<64xf32, #tpu.memory_space<hbm>>
      %dma_wait3A_1149 = arith.constant 0 : i32
      %dma_wait3A_1150 = tpu.memref_slice %arg14[%dma_wait3A_1149] : memref<128xf32, #tpu.memory_space<vmem>> -> memref<64xf32, #tpu.memory_space<vmem>>
      tpu.wait_dma2 semaphore(%run_scoped3A_1134 : memref<!tpu.dma_semaphore, #tpu.memory_space<semaphore_mem>>) src(%dma_wait3A_1150 : memref<64xf32, #tpu.memory_space<vmem>>) dst(%dma_wait3A_1148 : memref<64xf32, #tpu.memory_space<hbm>>)
      tpu.yield
    }) : () -> ()
    %run_scoped3A_1133 = arith.constant 1 : i32
    "tpu.region"() ({
      %run_scoped3A_1134 = tpu.sem_alloc : memref<!tpu.dma_semaphore, #tpu.memory_space<semaphore_mem>>
      %dma_start3A_1135 = arith.constant 64 : i32
      %dma_start3A_1136 = tpu.memref_slice %arg14[%dma_start3A_1135] : memref<128xf32, #tpu.memory_space<vmem>> -> memref<64xf32, #tpu.memory_space<vmem>>
      %dma_start3A_1137 = tpu.memref_slice %arg4[%run_scoped3A_1133, %mul3A_92] : memref<2x1024xf32, #tpu.memory_space<hbm>> -> memref<1x64xf32, #tpu.memory_space<hbm>>
      %dma_start3A_1138 = tpu.memref_squeeze %dma_start3A_1137 : memref<1x64xf32, #tpu.memory_space<hbm>> -> memref<64xf32, #tpu.memory_space<hbm>>
      %dma_start3A_1139 = tpu.memref_slice %arg4[%run_scoped3A_1133, %mul3A_92] : memref<2x1024xf32, #tpu.memory_space<hbm>> -> memref<1x64xf32, #tpu.memory_space<hbm>>
      %dma_start3A_1140 = tpu.memref_squeeze %dma_start3A_1139 : memref<1x64xf32, #tpu.memory_space<hbm>> -> memref<64xf32, #tpu.memory_space<hbm>>
      %dma_start3A_1141 = arith.constant 64 : i32
      %dma_start3A_1142 = tpu.memref_slice %arg14[%dma_start3A_1141] : memref<128xf32, #tpu.memory_space<vmem>> -> memref<64xf32, #tpu.memory_space<vmem>>
      tpu.enqueue_dma source(%dma_start3A_1142 : memref<64xf32, #tpu.memory_space<vmem>>) target(%dma_start3A_1140 : memref<64xf32, #tpu.memory_space<hbm>>) target_semaphore(%run_scoped3A_1134 : memref<!tpu.dma_semaphore, #tpu.memory_space<semaphore_mem>>)
      %dma_wait3A_1143 = arith.constant 64 : i32
      %dma_wait3A_1144 = tpu.memref_slice %arg14[%dma_wait3A_1143] : memref<128xf32, #tpu.memory_space<vmem>> -> memref<64xf32, #tpu.memory_space<vmem>>
      %dma_wait3A_1145 = tpu.memref_slice %arg4[%run_scoped3A_1133, %mul3A_92] : memref<2x1024xf32, #tpu.memory_space<hbm>> -> memref<1x64xf32, #tpu.memory_space<hbm>>
      %dma_wait3A_1146 = tpu.memref_squeeze %dma_wait3A_1145 : memref<1x64xf32, #tpu.memory_space<hbm>> -> memref<64xf32, #tpu.memory_space<hbm>>
      %dma_wait3A_1147 = tpu.memref_slice %arg4[%run_scoped3A_1133, %mul3A_92] : memref<2x1024xf32, #tpu.memory_space<hbm>> -> memref<1x64xf32, #tpu.memory_space<hbm>>
      %dma_wait3A_1148 = tpu.memref_squeeze %dma_wait3A_1147 : memref<1x64xf32, #tpu.memory_space<hbm>> -> memref<64xf32, #tpu.memory_space<hbm>>
      %dma_wait3A_1149 = arith.constant 64 : i32
      %dma_wait3A_1150 = tpu.memref_slice %arg14[%dma_wait3A_1149] : memref<128xf32, #tpu.memory_space<vmem>> -> memref<64xf32, #tpu.memory_space<vmem>>
      tpu.wait_dma2 semaphore(%run_scoped3A_1134 : memref<!tpu.dma_semaphore, #tpu.memory_space<semaphore_mem>>) src(%dma_wait3A_1150 : memref<64xf32, #tpu.memory_space<vmem>>) dst(%dma_wait3A_1148 : memref<64xf32, #tpu.memory_space<hbm>>)
      tpu.yield
    }) : () -> ()
    return
  }
}

</mosaic_0001>

<sc_bundles>
// kernel: kernel.3.cloned.1.call-start
scs
__scs_entry_jumppad:
0x0: {  	(pc) =	sbr.rel $0x88, $3  }
0x1: {  	(tag) =	ssettag $0x0;
	lr =	simm.s32 $0x1  }
0x2: {  	[smem:$0x3F9F] =	sst lr;
	_ =	strace $0xD0000000  }
0x3: {  	_ = 	snop  }
0x4: {  	_ = 	snop  }
0x5: {  	_ = 	snop  }
0x6: {  	_ = 	snop  }
0x7: {  	_ = 	snop  }
__scs_overlays_trampoline_lowered:
0x8: {  	[smem:$0x3FAE] =	sst s0  }
0x9: {  	[smem:$0x3FAF] =	sst s1  }
0xa: {  	[smem:$0x3FB0] =	sst s2  }
0xb: {  	[smem:$0x3FB1] =	sst s3  }
0xc: {  	[smem:$0x3FB2] =	sst s4  }
0xd: {  	[smem:$0x3FB3] =	sst s5  }
0xe: {  	[smem:$0x3FB4] =	sst s6  }
0xf: {  	[smem:$0x3FB5] =	sst s7  }
0x10: {  	[smem:$0x3FB6] =	sst s8  }
0x11: {  	[smem:$0x3FB7] =	sst s9;
	s0 =	simm.s32 @!p0 $0x0  }
0x12: {  	s1 =	sld [smem:$0x3F9D];
	s0 =	simm.s32 @p0 $0x1  }
0x13: {  	[smem:$0x3FB8] =	sst s0;
	s0 =	simm.s32 @!p1 $0x0  }
0x14: {  	s2 =	sld [smem:$0x3F9C];
	s0 =	simm.s32 @p1 $0x1  }
0x15: {  	[smem:$0x3FB9] =	sst s0;
	s0 =	simm.s32 @!p2 $0x0  }
0x16: {  	s3 =	sld [smem:$0x3FDB];
	s0 =	simm.s32 @p2 $0x1  }
0x17: {  	s4 =	simm.s32 $0x1BF5;
	[smem:$0x3FBB] =	sst s0  }
0x18: {  	s0 =	sld [smem:$0x3F9E];
	_ =	swait.ge [sflag:s4], $0x0  }
0x19: {  	s7 =	sld [smem:$0x3F9F]  }
0x1a: {  	s8 =	sadd.s32 $0xFFFFE003, lr  }
0x1b: {  	s9 =	sadd.s32 $0xFFFFFEF7, lr;
	s5 =	simm.s32 $0xFFFFFFFF;
	p2 =	slt.u32 s8, $0xFFFFF086  }
0x1c: {  	p1 =	slt.u32 s9, $0xF7A;
	s5 =	simm.s32 @!p2 $0x0  }
0x1d: {  	s5 =	simm.s32 @p1 $0x1;
	p0 =	seq.s32 s7, s2  }
0x1e: {  	s7 =	smul.u32 @!p0 $0xF7A, s2;
	p2 =	seq.s32 @!p0 s5, $0x0  }
0x1f: {  	s9 =	smul.u32 $0xF7A, s1;
	s8 =	simm.s32 @!p0 $0x1BF5;
	p2 =	por !p2, p0  }
0x20: {  	[sflag:s8] =	ssyncset.s32 @!p0 $0xFFFFF086;
	s6 =	sadd.s32 @!p0 s3, s7;
	s7 =	simm.s32 @!p0 $0x108  }
0x21: {  	s3 =	sadd.s32 s3, s9;
	s6 =	sadd.s32 @!p0 $0x88, s6;
	s7 =	simm.s32 @p2 $0x1082  }
0x22: {  	[simem:s7], [sflag:s8] =	dma.local @!p0 [hbm:s6], $0xF7A  }
0x23: {  	s9 =	sor.u32 $0xD0000000, s2;
	s6 =	simm.s32 $0x108;
	_ =	swait.ge @!p0 [sflag:s8], $0x0  }
0x24: {  	s3 =	sadd.s32 $0x88, s3;
	s6 =	simm.s32 @!p1 $0x1082;
	[sflag:s4] =	ssyncset.s32 $0xFFFFF086  }
0x25: {  	[simem:s6], [sflag:s4] =	dma.local [hbm:s3], $0xF7A  }
0x26: {  	[smem:$0x3F9F] =	sst s1;
	(tag) =	ssettag s2;
	_ =	strace s9  }
0x27: {  	s1 =	sld [smem:$0x3FAF]  }
0x28: {  	s2 =	sld [smem:$0x3FB0]  }
0x29: {  	s4 =	sld [smem:$0x3FB2]  }
0x2a: {  	p0 =	seq.s32 s5, $0x0;
	s5 =	sld [smem:$0x3FB3]  }
0x2b: {  	s6 =	sld [smem:$0x3FB4]  }
0x2c: {  	s7 =	sld [smem:$0x3FB5]  }
0x2d: {  	s3 =	simm.s32 $0x108;
	s8 =	sld [smem:$0x3FB6]  }
0x2e: {  	s3 =	simm.s32 @!p0 $0x1082;
	s9 =	sld [smem:$0x3FB7]  }
0x2f: {  	lr =	sadd.s32 s0, s3;
	s0 =	sld [smem:$0x3FAE]  }
0x30: {  	s3 =	sld [smem:$0x3FB1]  }
0x31: {  	[smem:$0x3FBA] =	sst s10  }
0x32: {  	s10 =	sld [smem:$0x3FB8];
	_ =	sdelay $0x3  }
0x33: {  	p0 =	seq.s32 s10, $0x1;
	s10 =	sld [smem:$0x3FBA];
	_ =	sdelay $0x3  }
0x34: {  	[smem:$0x3FBA] =	sst s10  }
0x35: {  	s10 =	sld [smem:$0x3FB9];
	_ =	sdelay $0x3  }
0x36: {  	p1 =	seq.s32 s10, $0x1;
	s10 =	sld [smem:$0x3FBA];
	_ =	sdelay $0x3  }
0x37: {  	[smem:$0x3FBA] =	sst s10  }
0x38: {  	s10 =	sld [smem:$0x3FBB]  }
0x39: {  	_ = 	snop;
	(pc) =	sbr.ind lr, $3  }
0x3a: {  	_ = 	snop  }
0x3b: {  	_ = 	snop  }
0x3c: {  	p2 =	seq.s32 s10, $0x1;
	s10 =	sld [smem:$0x3FBA]  }
0x3d: {  	_ =	shalt  }
0x3e: {  	_ =	shalt  }
0x3f: {  	_ =	shalt  }
0x40: {  	_ =	shalt  }
0x41: {  	_ =	shalt  }
0x42: {  	_ =	shalt  }
0x43: {  	_ =	shalt  }
0x44: {  	_ =	shalt  }
0x45: {  	_ =	shalt  }
0x46: {  	_ =	shalt  }
0x47: {  	_ =	shalt  }
0x48: {  	_ =	shalt  }
0x49: {  	_ =	shalt  }
0x4a: {  	_ =	shalt  }
0x4b: {  	_ =	shalt  }
0x4c: {  	_ =	shalt  }
0x4d: {  	_ =	shalt  }
0x4e: {  	_ =	shalt  }
0x4f: {  	_ =	shalt  }
0x50: {  	_ =	shalt  }
0x51: {  	_ =	shalt  }
0x52: {  	_ =	shalt  }
0x53: {  	_ =	shalt  }
0x54: {  	_ =	shalt  }
0x55: {  	_ =	shalt  }
0x56: {  	_ =	shalt  }
0x57: {  	_ =	shalt  }
0x58: {  	_ =	shalt  }
0x59: {  	_ =	shalt  }
0x5a: {  	_ =	shalt  }
0x5b: {  	_ =	shalt  }
0x5c: {  	_ =	shalt  }
0x5d: {  	_ =	shalt  }
0x5e: {  	_ =	shalt  }
0x5f: {  	_ =	shalt  }
0x60: {  	_ =	shalt  }
0x61: {  	_ =	shalt  }
0x62: {  	_ =	shalt  }
0x63: {  	_ =	shalt  }
0x64: {  	_ =	shalt  }
0x65: {  	_ =	shalt  }
0x66: {  	_ =	shalt  }
0x67: {  	_ =	shalt  }
0x68: {  	_ =	shalt  }
0x69: {  	_ =	shalt  }
0x6a: {  	_ =	shalt  }
0x6b: {  	_ =	shalt  }
0x6c: {  	_ =	shalt  }
0x6d: {  	_ =	shalt  }
0x6e: {  	_ =	shalt  }
0x6f: {  	_ =	shalt  }
0x70: {  	_ =	shalt  }
0x71: {  	_ =	shalt  }
0x72: {  	_ =	shalt  }
0x73: {  	_ =	shalt  }
0x74: {  	_ =	shalt  }
0x75: {  	_ =	shalt  }
0x76: {  	_ =	shalt  }
0x77: {  	_ =	shalt  }
0x78: {  	_ =	shalt  }
0x79: {  	_ =	shalt  }
0x7a: {  	_ =	shalt  }
0x7b: {  	_ =	shalt  }
0x7c: {  	_ =	shalt  }
0x7d: {  	_ =	shalt  }
0x7e: {  	_ =	shalt  }
0x7f: {  	_ =	shalt  }
0x80: {  	_ =	shalt  }
0x81: {  	_ =	shalt  }
0x82: {  	_ =	shalt  }
0x83: {  	_ =	shalt  }
0x84: {  	_ =	shalt  }
0x85: {  	_ =	shalt  }
0x86: {  	_ =	shalt  }
0x87: {  	_ =	shalt  }
.Lfunc_end0:
.L_simem_size_0:
called_computation_lowered:
.L_overlay_start_0:
0x88: {  	s0 =	sld [smem:$0x3FD9]  }
0x89: {  	s1 =	sld [smem:$0x3FFE];
	_ =	sdelay $0x3  }
0x8a: {  	s0 =	sadd.s32 s1, s0  }
0x8b: {  	[smem:$0x3FC6] =	sst s0  }
0x8c: {  	_ = 	snop  }
0x8d: {  	s0 =	sld [smem:$0x3FC8]  }
0x8e: {  	s16 =	sld [smem:$0x3FD0];
	(tm) =	ssettm $0x1  }
0x8f: {  	s2 =	sld [smem:$0x3FFB];
	_ =	sdelay $0x3  }
0x90: {  	_ =	strace s2  }
0x91: {  	s2 =	sld [smem:$0x3FFC];
	_ =	sdelay $0x3  }
0x92: {  	_ =	strace s2  }
0x93: {  	s2 =	sld [smem:$0x3FFD];
	_ =	sdelay $0x3  }
0x94: {  	_ =	strace s2  }
0x95: {  	_ =	strace $0x8FFFFFFF  }
0x96: {  	s17 =	sld [smem:$0x3FDB];
	_ =	sdelay $0x1  }
0x97: {  	s3 =	simm.s32 $_scs_section_size  }
0x98: {  	s4 =	simm.s32 $_size__tile_overlayer_lowered;
	s5 =	simm.s32 $_tile_overlayer_lowered  }
0x99: {  	s20 =	simm.s32 $0x1BFF;
	s19 =	sshll.u32 s5, $0x1;
	s2 =	sadd.s32 s3, s17  }
0x9a: {  	s6 =	simm.s32 $0x0;
	s18 =	sshll.u32 s4, $0x1;
	s4 =	sadd.s32 s19, s2  }
0x9b: {  	[timem:s6], [sflag:s20] =	dma.local [hbm:s4], s18  }
0x9c: {  	_ =	swait.ge [sflag:s20], s18  }
0x9d: {  	s3 =	ssub.s32 $0x0, s18;
	[sflag:s20] =	ssyncset.done $0x0  }
0x9e: {  	[sflag:s20] =	ssyncadd.s32 s3;
	_ =	sdelay $0x1  }
0x9f: {  	s21 =	simm.s32 $0x1B8B  }
0xa0: {  	_ =	swait.ge [sflag:s21], $0x1  }
0xa1: {  	[sflag:s21] =	ssyncset.done $0x0  }
0xa2: {  	s23 =	simm.s32 $0x1B8E;
	s22 =	sld [smem:$0x3FFE];
	[sflag:s21] =	ssyncadd.s32 $0xFFFFFFFF  }
0xa3: {  	s24 =	simm.s32 $execute0_lowered;
	[smem:$0x3FD2] =	sst s23  }
0xa4: {  	s4 =	sshll.u32 s24, $0x1;
	_ =	strace $0x80000046;
	[dreg:$0x1] =	wrdreg $0xFFFFFFFF  }
0xa5: {  	s25 =	simm.s32 $_size_execute0_lowered;
	s2 =	sadd.s32 s2, s4;
	[dreg:$0x0] =	wrdreg $0x0  }
0xa6: {  	s4 =	sshll.u32 s25, $0x1;
	[dreg:$0x2] =	wrdreg s2  }
0xa7: {  	[dreg:$0x3] =	wrdreg s4  }
0xa8: {  	[dreg:$0x4] =	wrdreg $0xC0  }
0xa9: {  	_ =	task [dreg:s6], $0x5FFFF  }
0xaa: {  	[dreg:$0x1] =	wrdreg $0xFFFFFFFF  }
0xab: {  	[dreg:$0x0] =	wrdreg $0x60  }
0xac: {  	[dreg:$0x2] =	wrdreg s22  }
0xad: {  	[dreg:$0x3] =	wrdreg s0  }
0xae: {  	[dreg:$0x4] =	wrdreg s16  }
0xaf: {  	[dreg:$0x5] =	wrdreg $0x31800  }
0xb0: {  	[dreg:$0x6] =	wrdreg $0x35800  }
0xb1: {  	[dreg:$0x7] =	wrdreg $0x9  }
0xb2: {  	_ =	task.clear_ibuf [dreg:s6], $0x8FFFF;
	_ =	strace $0x90000046  }
0xb3: {  	s26 =	simm.s32 $0x9;
	_ =	strace $0x80000048  }
0xb4: {  	_ =	swait.ge [sflag:s26], $0x1  }
0xb5: {  	[sflag:s26] =	ssyncadd.s32 $0xFFFFFFFF  }
0xb6: {  	_ =	strace $0x90000048  }
0xb7: {  	_ =	sfence  }
0xb8: {  	s28 =	sld [smem:$0x0];
	_ =	sdelay $0x1  }
0xb9: {  	s29 =	srdreg.scid  }
0xba: {  	s30 =	sshll.u32 s29, $0xD;
	s31 =	sshrl.u32 s29, $0x2  }
0xbb: {  	s1 =	sand.u32 $0x1, s29;
	s2 =	sand.u32 $0x4000, s30;
	s0 =	sadd.s32 s31, s28  }
0xbc: {  	s1 =	sor.u32 s2, s1;
	s0 =	sshll.u32 s0, $0x11  }
0xbd: {  	s0 =	sor.u32 s0, s1  }
0xbe: {  	s0 =	sadd.s32 $0x8F2B, s0  }
0xbf: {  	[sflag:s0] =	ssyncadd.remote.s32 $0x1  }
0xc0: {  	_ =	sfence.sel $0xFFFF  }
0xc1: {  	[dreg:$0x0] =	wrdreg $0xFFFFFFFF;
	(pc) =	sbr.abs _section_cstart, $3  }
0xc2: {  	[dreg:$0x1] =	wrdreg $0xFFFFFFFF  }
0xc3: {  	_ =	task.clear_ibuf [dreg:s6], $0x2FFFF;
	_ =	strace $0x9FFFFFFF  }
0xc4: {  	(tm) =	ssettm $0x7FFFFFFF  }
0xc5: {  	_ =	shalt  }
tec
execute0_lowered:
.L_overlay_start_1:
0x0: {  	(tag) =	ssettag $0x1  }
0x1: {  	s3 =	rddreg [dreg:$0x0]  }
0x2: {  	s6 =	rddreg [dreg:$0x1]  }
0x3: {  	s2 =	rddreg [dreg:$0x2]  }
0x4: {  	s5 =	rddreg [dreg:$0x3];
	s1 =	stileid.u32  }
0x5: {  	s4 =	rddreg [dreg:$0x4];
	s7 =	simm.s32 $0x0;
	s8 =	sshll.u32 s1, $0x8  }
0x6: {  	[smem:$0x7FF] =	sst s7;
	s3 =	sadd.s32 s8, s3  }
0x7: {  	s0 =	rddreg [dreg:$0x5];
	_ =	strace $0x80000047;
	s9 =	sadd.s32 $0x400, s3  }
0x8: {  	[tilespmem:s7], [sflag:$0x1] =	stream.linear.gather [hbm4b:s9+s7], $0x800, $0x38;
	[tilespmem:$0x4200] =	vst v63  }
0x9: {  	s10 =	simm.s32 $0x800;
	s28 =	sadd.s32 $0x1400, s3  }
0xa: {  	[tilespmem:s10], [sflag:$0x1] =	stream.linear.gather [hbm4b:s28+s7], $0x800, $0x38;
	[tilespmem:$0x4200] =	vst v63  }
0xb: {  	s29 =	simm.s32 $0x1000;
	s3 =	sadd.s32 $0x2400, s3  }
0xc: {  	[tilespmem:s29], [sflag:$0x1] =	stream.linear.gather [hbm4b:s3+s7], $0x800, $0x38;
	[tilespmem:$0x4200] =	vst v63  }
0xd: {  	s31 =	simm.s32 $0x1800;
	s30 =	sadd.s32 s6, s8  }
0xe: {  	v0 =	vimm.s32 $0x400;
	[tilespmem:s31], [sflag:$0x1] =	stream.linear.gather [hbm4b:s30+s7], $0x800, $0x38;
	[tilespmem:$0x4200] =	vst v63  }
0xf: {  	s6 =	simm.s32 $0x100;
	s3 =	simm.s32 $0x0;
	[tilespmem:$0x2000] =	vst v0;
	v0 =	vimm.f32 $0.0e+00  }
.LBB2_1:
0x10: {  	p0 =	sne.s32 s6, $0xF00;
	[tilespmem:s3+$0x2D30] =	vst v0  }
0x11: {  	[tilespmem:s3+$0x2080] =	vst v0  }
0x12: {  	[tilespmem:s3+$0x2480] =	vst v0  }
0x13: {  	[tilespmem:s3+$0x2900] =	vst v0  }
0x14: {  	[tilespmem:s3+$0x2D00] =	vst v0  }
0x15: {  	[tilespmem:s3+$0x2090] =	vst v0  }
0x16: {  	[tilespmem:s3+$0x2490] =	vst v0  }
0x17: {  	[tilespmem:s3+$0x2910] =	vst v0  }
0x18: {  	[tilespmem:s3+$0x2D10] =	vst v0  }
0x19: {  	[tilespmem:s3+$0x20A0] =	vst v0  }
0x1a: {  	[tilespmem:s3+$0x24A0] =	vst v0  }
.Ltmp0:
0x1b: {  	[tilespmem:s3+$0x2920] =	vst v0;
	(pc) =	sbr.rel @p0 .LBB2_1-.Ltmp0, $4  }
0x1c: {  	[tilespmem:s3+$0x2D20] =	vst v0  }
0x1d: {  	[tilespmem:s3+$0x20B0] =	vst v0  }
0x1e: {  	[tilespmem:s3+$0x24B0] =	vst v0  }
0x1f: {  	[tilespmem:s3+$0x2930] =	vst v0;
	s3 =	sshra.s32 s6, $0x2;
	s6 =	sadd.s32 $0x100, s6  }
0x20: {  	[tilespmem:s3+$0x2D30] =	vst v0  }
0x21: {  	[tilespmem:s3+$0x2080] =	vst v0  }
0x22: {  	[tilespmem:s3+$0x2480] =	vst v0  }
0x23: {  	[tilespmem:s3+$0x2900] =	vst v0  }
0x24: {  	[tilespmem:s3+$0x2D00] =	vst v0  }
0x25: {  	[tilespmem:s3+$0x2090] =	vst v0  }
0x26: {  	[tilespmem:s3+$0x2490] =	vst v0  }
0x27: {  	[tilespmem:s3+$0x2910] =	vst v0  }
0x28: {  	[tilespmem:s3+$0x2D10] =	vst v0  }
0x29: {  	[tilespmem:s3+$0x20A0] =	vst v0  }
0x2a: {  	[tilespmem:s3+$0x24A0] =	vst v0  }
0x2b: {  	[tilespmem:s3+$0x2920] =	vst v0  }
0x2c: {  	[tilespmem:s3+$0x2D20] =	vst v0  }
0x2d: {  	[tilespmem:s3+$0x20B0] =	vst v0  }
0x2e: {  	[tilespmem:s3+$0x24B0] =	vst v0  }
0x2f: {  	[tilespmem:s3+$0x2930] =	vst v0;
	s31 =	simm.s32 $0x1  }
0x30: {  	_ =	swait.ge [sflag:s31], $0x800  }
0x31: {  	[sflag:s31] =	ssyncset.done $0x0  }
0x32: {  	[sflag:s31] =	ssyncadd.s32 $0xFFFFF800  }
0x33: {  	_ =	swait.ge [sflag:s31], $0x800  }
0x34: {  	[sflag:s31] =	ssyncset.done $0x0  }
0x35: {  	[sflag:s31] =	ssyncadd.s32 $0xFFFFF800  }
0x36: {  	_ =	swait.ge [sflag:s31], $0x800  }
0x37: {  	[sflag:s31] =	ssyncset.done $0x0  }
0x38: {  	s3 =	simm.s32 $0x0;
	[sflag:s31] =	ssyncadd.s32 $0xFFFFF800  }
0x39: {  	s6 =	simm.s32 $0x820;
	s7 =	simm.s32 $0x1820;
	_ =	swait.ge [sflag:s31], $0x800  }
0x3a: {  	s8 =	simm.s32 $0x2080;
	s9 =	simm.s32 $0x2480;
	[sflag:s31] =	ssyncset.done $0x0  }
0x3b: {  	v1 =	vimm.f32 $0.0e+00;
	v0 =	vimm.s32 $0xF;
	s10 =	simm.s32 $0x2900;
	s11 =	simm.s32 $0x2D00;
	v2 =	vimm.f32 $0.0e+00;
	[sflag:s31] =	ssyncadd.s32 $0xFFFFF800  }
.LBB2_3:
0x3c: {  	v3 =	vld [tilespmem:s7+$0xFFFFFFE0]  }
0x3d: {  	s12 =	sand.u32 $0x7C0, s3;
	v6 =	vld [tilespmem:s6+$0xFFFFF7E0]  }
0x3e: {  	v4 =	vld [tilespmem:s12+$0x800]  }
0x3f: {  	v5 =	vld [tilespmem:s12+$0x1000]  }
0x40: {  	v7 =	vld [tilespmem:s6+$0xFFFFF7F0]  }
0x41: {  	v8 =	vld [tilespmem:s6+$0xFFFFFFF0]  }
0x42: {  	v9 =	vld [tilespmem:s6+$0x7F0]  }
0x43: {  	v10 =	vld [tilespmem:s7+$0xFFFFFFE1];
	(xrf2) =	vadd.scan.msk.f32 $0xffff, v6  }
0x44: {  	v42 =	vld [tilespmem:s6+$0xFFFFF800];
	v4 =	vadd.f32 v5, v4  }
0x45: {  	v43 =	vld [tilespmem:s6+$0x0]  }
0x46: {  	v44 =	vld [tilespmem:s6+$0x800];
	(xrf2) =	vadd.scan.msk.f32 $0xffff, v4  }
0x47: {  	v11 =	vld [tilespmem:s7+$0xFFFFFFF0];
	v8 =	vadd.f32 v9, v8;
	(xrf2) =	vadd.scan.msk.f32 $0xffff, v7  }
0x48: {  	v45 =	vld [tilespmem:s7+$0xFFFFFFF1]  }
0x49: {  	v46 =	vld [tilespmem:s6+$0xFFFFF810];
	(xrf2) =	vadd.scan.msk.f32 $0xffff, v8  }
0x4a: {  	v47 =	vld [tilespmem:s6+$0x10]  }
0x4b: {  	v48 =	vld [tilespmem:s6+$0x810];
	vm0 =	vne.s32 v3, v10;
	v4 =	vadd.f32 v44, v43;
	(xrf2) =	vadd.scan.msk.f32 $0xffff, v42  }
0x4c: {  	v49 =	vld [tilespmem:s7+$0x0]  }
0x4d: {  	v12 =	vld [tilespmem:s7+$0x1];
	(xrf2) =	vadd.scan.msk.f32 $0xffff, v4;
	v50, _, _ =	vpop (xrf2)  }
0x4e: {  	v4 =	vperm.xlane v50, v0  }
0x4f: {  	vm1 =	vne.s32 v11, v45;
	v15 =	vadd.f32 v50, v2  }
0x50: {  	v14 =	vld [tilespmem:s7+$0x10];
	v5 =	vadd.f32 v48, v47;
	(xrf2) =	vadd.scan.msk.f32 $0xffff, v46;
	v13, _, _ =	vpop (xrf2);
	v2 =	vadd.f32 v4, v2  }
0x51: {  	v16 =	vld [tilespmem:s7+$0x11];
	[tilespmem:v3+s8+$0x0] =	vst.idx.msk vm0, v15;
	v51 =	vperm.xlane v13, v0;
	v52, _, _ =	vpop (xrf2);
	v13 =	vadd.f32 v13, v1  }
0x52: {  	vm2 =	vne.s32 v49, v12;
	(xrf2) =	vadd.scan.msk.f32 $0xffff, v5;
	[tilespmem:v10+s9+$0x0] =	vst.idx.msk vm0, v15;
	v53 =	vperm.xlane v52, v0  }
0x53: {  	v54, _, _ =	vpop (xrf2);
	v55 =	vadd.f32 v2, v52;
	v1 =	vadd.f32 v51, v1;
	[tilespmem:v3+s10+$0x0] =	vst.idx.msk vm0, v13  }
0x54: {  	v3 =	vperm.xlane v54, v0;
	[tilespmem:v10+s11+$0x0] =	vst.idx.msk vm0, v13  }
0x55: {  	v56, _, _ =	vpop (xrf2);
	v2 =	vadd.f32 v53, v2;
	v5 =	vadd.f32 v1, v54;
	[tilespmem:v11+s8+$0x0] =	vst.idx.msk vm1, v55  }
0x56: {  	vm15 =	vne.s32 v14, v16;
	v4 =	vperm.xlane v56, v0;
	[tilespmem:v45+s9+$0x0] =	vst.idx.msk vm1, v55  }
0x57: {  	v57, _, _ =	vpop (xrf2);
	v1 =	vadd.f32 v3, v1;
	v3 =	vadd.f32 v2, v56;
	[tilespmem:v11+s10+$0x0] =	vst.idx.msk vm1, v5  }
0x58: {  	v59 =	vperm.xlane v57, v0;
	[tilespmem:v45+s11+$0x0] =	vst.idx.msk vm1, v5  }
0x59: {  	v2 =	vadd.f32 v4, v2;
	v58 =	vadd.f32 v1, v57;
	[tilespmem:v49+s8+$0x0] =	vst.idx.msk vm2, v3  }
0x5a: {  	v60, _, _ =	vpop (xrf2);
	[tilespmem:v12+s9+$0x0] =	vst.idx.msk vm2, v3  }
0x5b: {  	p0 =	sne.s32 s3, $0x7C0;
	v1 =	vadd.f32 v59, v1;
	v3 =	vadd.f32 v2, v60;
	[tilespmem:v49+s10+$0x0] =	vst.idx.msk vm2, v58  }
.Ltmp1:
0x5c: {  	v61, _, _ =	vpop (xrf2);
	[tilespmem:v12+s11+$0x0] =	vst.idx.msk vm2, v58;
	(pc) =	sbr.rel @p0 .LBB2_3-.Ltmp1, $4  }
0x5d: {  	v62 =	vadd.f32 v1, v61;
	[tilespmem:v14+s8+$0x0] =	vst.idx.msk vm15, v3  }
0x5e: {  	v63 =	vperm.xlane v60, v0;
	v4 =	vperm.xlane v61, v0;
	[tilespmem:v16+s9+$0x0] =	vst.idx.msk vm15, v3  }
0x5f: {  	[tilespmem:v14+s10+$0x0] =	vst.idx.msk vm15, v62  }
0x60: {  	s6 =	sadd.s32 $0x40, s6;
	s7 =	sadd.s32 $0x40, s7;
	s3 =	sadd.s32 $0x40, s3;
	v2 =	vadd.f32 v63, v2;
	v1 =	vadd.f32 v4, v1;
	[tilespmem:v16+s11+$0x0] =	vst.idx.msk vm15, v62  }
0x61: {  	s3 =	simm.s32 $0x0  }
0x62: {  	v5 =	vld [tilespmem:s3+$0x2480]  }
0x63: {  	v6 =	vld [tilespmem:s3+$0x2D00]  }
0x64: {  	v1 =	vld [tilespmem:s3+$0x2490]  }
0x65: {  	v0 =	vld [tilespmem:s3+$0x2D10]  }
0x66: {  	v2 =	vld [tilespmem:s3+$0x2080]  }
0x67: {  	v4 =	vld [tilespmem:s3+$0x2900]  }
0x68: {  	s6 =	simm.s32 $0x80;
	v3 =	vld [tilespmem:s3+$0x2090]  }
.LBB2_5:
0x69: {  	s7 =	sshra.s32 s6, $0x2;
	p0 =	sne.s32 s6, $0xF80;
	v7 =	vld [tilespmem:s3+$0x2910];
	v8 =	vmov v1  }
0x6a: {  	v9 =	vld [tilespmem:s7+$0x2480];
	v10 =	vmov v0  }
0x6b: {  	v11 =	vld [tilespmem:s7+$0x2D00];
	v2 =	vsub.f32 v2, v5  }
.Ltmp2:
0x6c: {  	v1 =	vld [tilespmem:s7+$0x2490];
	v4 =	vsub.f32 v4, v6;
	(pc) =	sbr.rel @p0 .LBB2_5-.Ltmp2, $4  }
0x6d: {  	v0 =	vld [tilespmem:s7+$0x2D10];
	[tilespmem:s3+$0x2080] =	vst v2;
	v3 =	vsub.f32 v3, v8  }
0x6e: {  	v2 =	vld [tilespmem:s7+$0x2080];
	[tilespmem:s3+$0x2900] =	vst v4;
	v7 =	vsub.f32 v7, v10  }
0x6f: {  	v4 =	vld [tilespmem:s7+$0x2900];
	[tilespmem:s3+$0x2090] =	vst v3;
	v5 =	vmov v9  }
0x70: {  	s6 =	sadd.s32 $0x80, s6;
	v3 =	vld [tilespmem:s7+$0x2090];
	[tilespmem:s3+$0x2910] =	vst v7;
	v6 =	vmov v11;
	s3 =	smov.u32 s7  }
0x71: {  	v7 =	vld [tilespmem:s3+$0x2910];
	_ =	sdelay $0x1  }
0x72: {  	v2 =	vsub.f32 v2, v5  }
0x73: {  	v4 =	vsub.f32 v4, v6  }
0x74: {  	[tilespmem:s3+$0x2080] =	vst v2;
	v1 =	vsub.f32 v3, v1  }
0x75: {  	[tilespmem:s3+$0x2900] =	vst v4;
	v0 =	vsub.f32 v7, v0  }
0x76: {  	s6 =	sshll.u32 s1, $0xA;
	[tilespmem:s3+$0x2090] =	vst v1  }
0x77: {  	s7 =	simm.s32 $0x2080;
	s23 =	sadd.s32 s6, s5;
	[tilespmem:s3+$0x2910] =	vst v0  }
0x78: {  	[spmem:s23] =	stream.linear.scatter [tilespmem:s7], [sflag:$0x1], $0x400, $0x38;
	[tilespmem:$0x4200] =	vst v63  }
0x79: {  	s25 =	simm.s32 $0x2900;
	s24 =	sadd.s32 s6, s4;
	s6 =	simm.s32 $0x1  }
0x7a: {  	[spmem:s24] =	stream.linear.scatter [tilespmem:s25], [sflag:$0x1], $0x400, $0x38;
	[tilespmem:$0x4200] =	vst v63  }
0x7b: {  	_ =	swait.ge [sflag:s6], $0x400  }
0x7c: {  	[sflag:s6] =	ssyncset.done $0x0  }
0x7d: {  	[sflag:s6] =	ssyncadd.s32 $0xFFFFFC00  }
0x7e: {  	_ =	swait.ge [sflag:s6], $0x400  }
0x7f: {  	[sflag:s6] =	ssyncset.done $0x0  }
0x80: {  	s3 =	sshll.u32 s1, $0x6;
	[sflag:s6] =	ssyncadd.s32 $0xFFFFFC00  }
0x81: {  	s8 =	simm.s32 $0x3980;
	s26 =	sadd.s32 s3, s5;
	[bflag:$0x0] =	sbarrier.arrive $0xFFFF  }
0x82: {  	[tilespmem:s8], [sflag:$0x1] =	stream.linear.gather [spmem:s26], $0x40, $0x38;
	[tilespmem:$0x4200] =	vst v63  }
0x83: {  	s29 =	simm.s32 $0x3D80;
	s28 =	sadd.s32 s3, s4;
	s30 =	sor.u32 $0x400, s3  }
0x84: {  	[tilespmem:s29], [sflag:$0x1] =	stream.linear.gather [spmem:s28], $0x40, $0x38;
	[tilespmem:$0x4200] =	vst v63  }
0x85: {  	s9 =	simm.s32 $0x39C0;
	s31 =	sadd.s32 s30, s5  }
0x86: {  	[tilespmem:s9], [sflag:$0x1] =	stream.linear.gather [spmem:s31], $0x40, $0x38;
	[tilespmem:$0x4200] =	vst v63  }
0x87: {  	s10 =	sor.u32 $0x800, s3;
	s7 =	sadd.s32 s30, s4;
	s9 =	simm.s32 $0x3DC0  }
0x88: {  	[tilespmem:s9], [sflag:$0x1] =	stream.linear.gather [spmem:s7], $0x40, $0x38;
	[tilespmem:$0x4200] =	vst v63  }
0x89: {  	s12 =	simm.s32 $0x3A00;
	s11 =	sadd.s32 s10, s5  }
0x8a: {  	[tilespmem:s12], [sflag:$0x1] =	stream.linear.gather [spmem:s11], $0x40, $0x38;
	[tilespmem:$0x4200] =	vst v63  }
0x8b: {  	s13 =	simm.s32 $0x3E00;
	s14 =	sor.u32 $0xC00, s3;
	s7 =	sadd.s32 s10, s4  }
0x8c: {  	[tilespmem:s13], [sflag:$0x1] =	stream.linear.gather [spmem:s7], $0x40, $0x38;
	[tilespmem:$0x4200] =	vst v63  }
0x8d: {  	s16 =	simm.s32 $0x3A40;
	s15 =	sadd.s32 s14, s5  }
0x8e: {  	[tilespmem:s16], [sflag:$0x1] =	stream.linear.gather [spmem:s15], $0x40, $0x38;
	[tilespmem:$0x4200] =	vst v63  }
0x8f: {  	s17 =	simm.s32 $0x3E40;
	s18 =	sor.u32 $0x1000, s3;
	s7 =	sadd.s32 s14, s4  }
0x90: {  	[tilespmem:s17], [sflag:$0x1] =	stream.linear.gather [spmem:s7], $0x40, $0x38;
	[tilespmem:$0x4200] =	vst v63  }
0x91: {  	s20 =	simm.s32 $0x3A80;
	s19 =	sadd.s32 s18, s5  }
0x92: {  	[tilespmem:s20], [sflag:$0x1] =	stream.linear.gather [spmem:s19], $0x40, $0x38;
	[tilespmem:$0x4200] =	vst v63  }
0x93: {  	s21 =	simm.s32 $0x3E80;
	s22 =	sor.u32 $0x1400, s3;
	s7 =	sadd.s32 s18, s4  }
0x94: {  	[tilespmem:s21], [sflag:$0x1] =	stream.linear.gather [spmem:s7], $0x40, $0x38;
	[tilespmem:$0x4200] =	vst v63  }
0x95: {  	s23 =	sadd.s32 s22, s5;
	s24 =	simm.s32 $0x3AC0  }
0x96: {  	[tilespmem:s24], [sflag:$0x1] =	stream.linear.gather [spmem:s23], $0x40, $0x38;
	[tilespmem:$0x4200] =	vst v63  }
0x97: {  	s25 =	simm.s32 $0x3EC0;
	s26 =	sor.u32 $0x1800, s3;
	s7 =	sadd.s32 s22, s4  }
0x98: {  	[tilespmem:s25], [sflag:$0x1] =	stream.linear.gather [spmem:s7], $0x40, $0x38;
	[tilespmem:$0x4200] =	vst v63  }
0x99: {  	s28 =	sadd.s32 s26, s5;
	s29 =	simm.s32 $0x3B00  }
0x9a: {  	[tilespmem:s29], [sflag:$0x1] =	stream.linear.gather [spmem:s28], $0x40, $0x38;
	[tilespmem:$0x4200] =	vst v63  }
0x9b: {  	s30 =	simm.s32 $0x3F00;
	s31 =	sor.u32 $0x1C00, s3;
	s7 =	sadd.s32 s26, s4  }
0x9c: {  	[tilespmem:s30], [sflag:$0x1] =	stream.linear.gather [spmem:s7], $0x40, $0x38;
	[tilespmem:$0x4200] =	vst v63  }
0x9d: {  	s9 =	sadd.s32 s31, s5;
	s10 =	simm.s32 $0x3B40  }
0x9e: {  	[tilespmem:s10], [sflag:$0x1] =	stream.linear.gather [spmem:s9], $0x40, $0x38;
	[tilespmem:$0x4200] =	vst v63  }
0x9f: {  	s11 =	simm.s32 $0x3F40;
	s12 =	sor.u32 $0x2000, s3;
	s7 =	sadd.s32 s31, s4  }
0xa0: {  	[tilespmem:s11], [sflag:$0x1] =	stream.linear.gather [spmem:s7], $0x40, $0x38;
	[tilespmem:$0x4200] =	vst v63  }
0xa1: {  	s13 =	sadd.s32 s12, s5;
	s14 =	simm.s32 $0x3B80  }
0xa2: {  	[tilespmem:s14], [sflag:$0x1] =	stream.linear.gather [spmem:s13], $0x40, $0x38;
	[tilespmem:$0x4200] =	vst v63  }
0xa3: {  	s15 =	simm.s32 $0x3F80;
	s16 =	sor.u32 $0x2400, s3;
	s7 =	sadd.s32 s12, s4  }
0xa4: {  	[tilespmem:s15], [sflag:$0x1] =	stream.linear.gather [spmem:s7], $0x40, $0x38;
	[tilespmem:$0x4200] =	vst v63  }
0xa5: {  	s17 =	sadd.s32 s16, s5;
	s18 =	simm.s32 $0x3BC0  }
0xa6: {  	[tilespmem:s18], [sflag:$0x1] =	stream.linear.gather [spmem:s17], $0x40, $0x38;
	[tilespmem:$0x4200] =	vst v63  }
0xa7: {  	s19 =	simm.s32 $0x3FC0;
	s20 =	sor.u32 $0x2800, s3;
	s7 =	sadd.s32 s16, s4  }
0xa8: {  	[tilespmem:s19], [sflag:$0x1] =	stream.linear.gather [spmem:s7], $0x40, $0x38;
	[tilespmem:$0x4200] =	vst v63  }
0xa9: {  	s21 =	sadd.s32 s20, s5;
	s22 =	simm.s32 $0x3C00  }
0xaa: {  	[tilespmem:s22], [sflag:$0x1] =	stream.linear.gather [spmem:s21], $0x40, $0x38;
	[tilespmem:$0x4200] =	vst v63  }
0xab: {  	s23 =	simm.s32 $0x4000;
	s24 =	sor.u32 $0x2C00, s3;
	s7 =	sadd.s32 s20, s4  }
0xac: {  	[tilespmem:s23], [sflag:$0x1] =	stream.linear.gather [spmem:s7], $0x40, $0x38;
	[tilespmem:$0x4200] =	vst v63  }
0xad: {  	s25 =	sadd.s32 s24, s5;
	s26 =	simm.s32 $0x3C40  }
0xae: {  	[tilespmem:s26], [sflag:$0x1] =	stream.linear.gather [spmem:s25], $0x40, $0x38;
	[tilespmem:$0x4200] =	vst v63  }
0xaf: {  	s28 =	simm.s32 $0x4040;
	s29 =	sor.u32 $0x3000, s3;
	s7 =	sadd.s32 s24, s4  }
0xb0: {  	[tilespmem:s28], [sflag:$0x1] =	stream.linear.gather [spmem:s7], $0x40, $0x38;
	[tilespmem:$0x4200] =	vst v63  }
0xb1: {  	s30 =	sadd.s32 s29, s5;
	s31 =	simm.s32 $0x3C80  }
0xb2: {  	[tilespmem:s31], [sflag:$0x1] =	stream.linear.gather [spmem:s30], $0x40, $0x38;
	[tilespmem:$0x4200] =	vst v63  }
0xb3: {  	s10 =	simm.s32 $0x4080;
	s11 =	sor.u32 $0x3400, s3;
	s7 =	sadd.s32 s29, s4  }
0xb4: {  	[tilespmem:s10], [sflag:$0x1] =	stream.linear.gather [spmem:s7], $0x40, $0x38;
	[tilespmem:$0x4200] =	vst v63  }
0xb5: {  	s12 =	sadd.s32 s11, s5;
	s13 =	simm.s32 $0x3CC0  }
0xb6: {  	[tilespmem:s13], [sflag:$0x1] =	stream.linear.gather [spmem:s12], $0x40, $0x38;
	[tilespmem:$0x4200] =	vst v63  }
0xb7: {  	s14 =	simm.s32 $0x40C0;
	s15 =	sor.u32 $0x3800, s3;
	s7 =	sadd.s32 s11, s4  }
0xb8: {  	[tilespmem:s14], [sflag:$0x1] =	stream.linear.gather [spmem:s7], $0x40, $0x38;
	[tilespmem:$0x4200] =	vst v63  }
0xb9: {  	s16 =	sadd.s32 s15, s5;
	s17 =	simm.s32 $0x3D00  }
0xba: {  	[tilespmem:s17], [sflag:$0x1] =	stream.linear.gather [spmem:s16], $0x40, $0x38;
	[tilespmem:$0x4200] =	vst v63  }
0xbb: {  	s18 =	simm.s32 $0x4100;
	s19 =	sor.u32 $0x3C00, s3;
	s7 =	sadd.s32 s15, s4  }
0xbc: {  	[tilespmem:s18], [sflag:$0x1] =	stream.linear.gather [spmem:s7], $0x40, $0x38;
	[tilespmem:$0x4200] =	vst v63  }
0xbd: {  	s20 =	sadd.s32 s19, s5;
	s21 =	simm.s32 $0x3D40  }
0xbe: {  	[tilespmem:s21], [sflag:$0x1] =	stream.linear.gather [spmem:s20], $0x40, $0x38;
	[tilespmem:$0x4200] =	vst v63  }
0xbf: {  	s22 =	sadd.s32 s19, s4;
	s23 =	simm.s32 $0x4140  }
0xc0: {  	[tilespmem:s23], [sflag:$0x1] =	stream.linear.gather [spmem:s22], $0x40, $0x38;
	[tilespmem:$0x4200] =	vst v63  }
0xc1: {  	_ =	swait.ge [sflag:s6], $0x40  }
0xc2: {  	[sflag:s6] =	ssyncset.done $0x0  }
0xc3: {  	[sflag:s6] =	ssyncadd.s32 $0xFFFFFFC0  }
0xc4: {  	_ =	swait.ge [sflag:s6], $0x40  }
0xc5: {  	[sflag:s6] =	ssyncset.done $0x0  }
0xc6: {  	[sflag:s6] =	ssyncadd.s32 $0xFFFFFFC0  }
0xc7: {  	_ =	swait.ge [sflag:s6], $0x40  }
0xc8: {  	[sflag:s6] =	ssyncset.done $0x0  }
0xc9: {  	[sflag:s6] =	ssyncadd.s32 $0xFFFFFFC0  }
0xca: {  	_ =	swait.ge [sflag:s6], $0x40  }
0xcb: {  	[sflag:s6] =	ssyncset.done $0x0  }
0xcc: {  	[sflag:s6] =	ssyncadd.s32 $0xFFFFFFC0  }
0xcd: {  	_ =	swait.ge [sflag:s6], $0x40  }
0xce: {  	[sflag:s6] =	ssyncset.done $0x0  }
0xcf: {  	[sflag:s6] =	ssyncadd.s32 $0xFFFFFFC0  }
0xd0: {  	_ =	swait.ge [sflag:s6], $0x40  }
0xd1: {  	[sflag:s6] =	ssyncset.done $0x0  }
0xd2: {  	[sflag:s6] =	ssyncadd.s32 $0xFFFFFFC0  }
0xd3: {  	_ =	swait.ge [sflag:s6], $0x40  }
0xd4: {  	[sflag:s6] =	ssyncset.done $0x0  }
0xd5: {  	[sflag:s6] =	ssyncadd.s32 $0xFFFFFFC0  }
0xd6: {  	_ =	swait.ge [sflag:s6], $0x40  }
0xd7: {  	[sflag:s6] =	ssyncset.done $0x0  }
0xd8: {  	[sflag:s6] =	ssyncadd.s32 $0xFFFFFFC0  }
0xd9: {  	_ =	swait.ge [sflag:s6], $0x40  }
0xda: {  	[sflag:s6] =	ssyncset.done $0x0  }
0xdb: {  	[sflag:s6] =	ssyncadd.s32 $0xFFFFFFC0  }
0xdc: {  	_ =	swait.ge [sflag:s6], $0x40  }
0xdd: {  	[sflag:s6] =	ssyncset.done $0x0  }
0xde: {  	[sflag:s6] =	ssyncadd.s32 $0xFFFFFFC0  }
0xdf: {  	_ =	swait.ge [sflag:s6], $0x40  }
0xe0: {  	[sflag:s6] =	ssyncset.done $0x0  }
0xe1: {  	[sflag:s6] =	ssyncadd.s32 $0xFFFFFFC0  }
0xe2: {  	_ =	swait.ge [sflag:s6], $0x40  }
0xe3: {  	[sflag:s6] =	ssyncset.done $0x0  }
0xe4: {  	[sflag:s6] =	ssyncadd.s32 $0xFFFFFFC0  }
0xe5: {  	_ =	swait.ge [sflag:s6], $0x40  }
0xe6: {  	[sflag:s6] =	ssyncset.done $0x0  }
0xe7: {  	[sflag:s6] =	ssyncadd.s32 $0xFFFFFFC0  }
0xe8: {  	_ =	swait.ge [sflag:s6], $0x40  }
0xe9: {  	[sflag:s6] =	ssyncset.done $0x0  }
0xea: {  	[sflag:s6] =	ssyncadd.s32 $0xFFFFFFC0  }
0xeb: {  	_ =	swait.ge [sflag:s6], $0x40  }
0xec: {  	[sflag:s6] =	ssyncset.done $0x0  }
0xed: {  	[sflag:s6] =	ssyncadd.s32 $0xFFFFFFC0  }
0xee: {  	_ =	swait.ge [sflag:s6], $0x40  }
0xef: {  	[sflag:s6] =	ssyncset.done $0x0  }
0xf0: {  	[sflag:s6] =	ssyncadd.s32 $0xFFFFFFC0  }
0xf1: {  	_ =	swait.ge [sflag:s6], $0x40  }
0xf2: {  	[sflag:s6] =	ssyncset.done $0x0  }
0xf3: {  	[sflag:s6] =	ssyncadd.s32 $0xFFFFFFC0  }
0xf4: {  	_ =	swait.ge [sflag:s6], $0x40  }
0xf5: {  	[sflag:s6] =	ssyncset.done $0x0  }
0xf6: {  	[sflag:s6] =	ssyncadd.s32 $0xFFFFFFC0  }
0xf7: {  	_ =	swait.ge [sflag:s6], $0x40  }
0xf8: {  	[sflag:s6] =	ssyncset.done $0x0  }
0xf9: {  	[sflag:s6] =	ssyncadd.s32 $0xFFFFFFC0  }
0xfa: {  	_ =	swait.ge [sflag:s6], $0x40  }
0xfb: {  	[sflag:s6] =	ssyncset.done $0x0  }
0xfc: {  	[sflag:s6] =	ssyncadd.s32 $0xFFFFFFC0  }
0xfd: {  	_ =	swait.ge [sflag:s6], $0x40  }
0xfe: {  	[sflag:s6] =	ssyncset.done $0x0  }
0xff: {  	[sflag:s6] =	ssyncadd.s32 $0xFFFFFFC0  }
0x100: {  	_ =	swait.ge [sflag:s6], $0x40  }
0x101: {  	[sflag:s6] =	ssyncset.done $0x0  }
0x102: {  	[sflag:s6] =	ssyncadd.s32 $0xFFFFFFC0  }
0x103: {  	_ =	swait.ge [sflag:s6], $0x40  }
0x104: {  	[sflag:s6] =	ssyncset.done $0x0  }
0x105: {  	[sflag:s6] =	ssyncadd.s32 $0xFFFFFFC0  }
0x106: {  	_ =	swait.ge [sflag:s6], $0x40  }
0x107: {  	[sflag:s6] =	ssyncset.done $0x0  }
0x108: {  	[sflag:s6] =	ssyncadd.s32 $0xFFFFFFC0  }
0x109: {  	_ =	swait.ge [sflag:s6], $0x40  }
0x10a: {  	[sflag:s6] =	ssyncset.done $0x0  }
0x10b: {  	[sflag:s6] =	ssyncadd.s32 $0xFFFFFFC0  }
0x10c: {  	_ =	swait.ge [sflag:s6], $0x40  }
0x10d: {  	[sflag:s6] =	ssyncset.done $0x0  }
0x10e: {  	[sflag:s6] =	ssyncadd.s32 $0xFFFFFFC0  }
0x10f: {  	_ =	swait.ge [sflag:s6], $0x40  }
0x110: {  	[sflag:s6] =	ssyncset.done $0x0  }
0x111: {  	[sflag:s6] =	ssyncadd.s32 $0xFFFFFFC0  }
0x112: {  	_ =	swait.ge [sflag:s6], $0x40  }
0x113: {  	[sflag:s6] =	ssyncset.done $0x0  }
0x114: {  	[sflag:s6] =	ssyncadd.s32 $0xFFFFFFC0  }
0x115: {  	_ =	swait.ge [sflag:s6], $0x40  }
0x116: {  	[sflag:s6] =	ssyncset.done $0x0  }
0x117: {  	[sflag:s6] =	ssyncadd.s32 $0xFFFFFFC0  }
0x118: {  	_ =	swait.ge [sflag:s6], $0x40  }
0x119: {  	[sflag:s6] =	ssyncset.done $0x0  }
0x11a: {  	[sflag:s6] =	ssyncadd.s32 $0xFFFFFFC0  }
0x11b: {  	_ =	swait.ge [sflag:s6], $0x40  }
0x11c: {  	[sflag:s6] =	ssyncset.done $0x0  }
0x11d: {  	[sflag:s6] =	ssyncadd.s32 $0xFFFFFFC0  }
0x11e: {  	_ =	swait.ge [sflag:s6], $0x40  }
0x11f: {  	[sflag:s6] =	ssyncset.done $0x0  }
0x120: {  	[sflag:s6] =	ssyncadd.s32 $0xFFFFFFC0  }
0x121: {  	v60 =	vld [tilespmem:$0x3D80]  }
0x122: {  	v61 =	vld [tilespmem:$0x3DC0]  }
0x123: {  	v62 =	vld [tilespmem:$0x3E00]  }
0x124: {  	v63 =	vld [tilespmem:$0x3E40]  }
0x125: {  	v18 =	vld [tilespmem:$0x3E80]  }
0x126: {  	v19 =	vld [tilespmem:$0x3EC0]  }
0x127: {  	v20 =	vld [tilespmem:$0x3F00]  }
0x128: {  	v21 =	vld [tilespmem:$0x3F40]  }
0x129: {  	v8 =	vld [tilespmem:$0x3F80]  }
0x12a: {  	v9 =	vld [tilespmem:$0x3FC0]  }
0x12b: {  	v10 =	vld [tilespmem:$0x4000]  }
0x12c: {  	v11 =	vld [tilespmem:$0x4040]  }
0x12d: {  	v12 =	vld [tilespmem:$0x4080]  }
0x12e: {  	v13 =	vld [tilespmem:$0x40C0]  }
0x12f: {  	v14 =	vld [tilespmem:$0x4100]  }
0x130: {  	v15 =	vld [tilespmem:$0x4140];
	_ =	sdelay $0x1  }
0x131: {  	v0 =	vadd.f32 v61, v60;
	v22 =	vadd.f32 v63, v62  }
0x132: {  	v23 =	vadd.f32 v19, v18;
	v24 =	vadd.f32 v21, v20  }
0x133: {  	v25 =	vadd.f32 v9, v8;
	v26 =	vadd.f32 v11, v10  }
0x134: {  	v27 =	vadd.f32 v13, v12;
	v28 =	vadd.f32 v15, v14  }
0x135: {  	v0 =	vadd.f32 v22, v0;
	v29 =	vadd.f32 v24, v23  }
0x136: {  	v30 =	vadd.f32 v26, v25;
	v31 =	vadd.f32 v28, v27;
	_ =	sdelay $0x1  }
0x137: {  	v0 =	vadd.f32 v29, v0;
	v32 =	vadd.f32 v31, v30;
	_ =	sdelay $0x1  }
0x138: {  	v0 =	vadd.f32 v32, v0;
	_ =	sdelay $0x1  }
0x139: {  	v0 =	vsub.f32 $1.000000000e+00, v0;
	_ =	sdelay $0x1  }
0x13a: {  	v0 =	vmul.f32 $1.000000000e+01, v0;
	_ =	sdelay $0x1  }
0x13b: {  	v33 =	vand.u32 $0x7FFFFFFF, v0  }
0x13c: {  	v1 =	vsub.f32 $0.0e+00, v33;
	_ =	sdelay $0x1  }
0x13d: {  	v34 =	vld [tilespmem:$0x3980];
	v1 =	vmul.f32 $1.442695020e+00, v1  }
0x13e: {  	v35 =	vld [tilespmem:$0x39C0]  }
0x13f: {  	v36 =	vld [tilespmem:$0x3A00];
	(erf) = vpow2.f32 v1  }
0x140: {  	v37 =	vld [tilespmem:$0x3A40]  }
0x141: {  	v38 =	vld [tilespmem:$0x3A80]  }
0x142: {  	v39 =	vld [tilespmem:$0x3AC0]  }
0x143: {  	v40 =	vld [tilespmem:$0x3B00]  }
0x144: {  	v41 =	vld [tilespmem:$0x3B40]  }
0x145: {  	v42 =	vld [tilespmem:$0x3B80]  }
0x146: {  	v43 =	vld [tilespmem:$0x3BC0]  }
0x147: {  	v44 =	vld [tilespmem:$0x3C00]  }
0x148: {  	v45 =	vld [tilespmem:$0x3C40];
	v46 =	vpop (erf)  }
0x149: {  	v47 =	vld [tilespmem:$0x3C80];
	v48 =	vadd.f32 $1.000000000e+00, v46  }
0x14a: {  	v16 =	vld [tilespmem:$0x3CC0]  }
0x14b: {  	v17 =	vld [tilespmem:$0x3D00];
	(erf) = vrcp.f32 v48  }
0x14c: {  	v49 =	vld [tilespmem:$0x3D40];
	_ =	sdelay $0x1  }
0x14d: {  	v2 =	vadd.f32 v35, v34;
	v50 =	vadd.f32 v39, v38  }
0x14e: {  	v51 =	vadd.f32 v41, v40;
	v52 =	vadd.f32 v43, v42  }
0x14f: {  	v53 =	vadd.f32 v45, v44;
	v54 =	vadd.f32 v16, v47  }
0x150: {  	v55 =	vadd.f32 v49, v17;
	v1 =	vadd.f32 v37, v36  }
0x151: {  	v56 =	vadd.f32 v51, v50;
	v57 =	vadd.f32 v53, v52  }
0x152: {  	v58 =	vadd.f32 v55, v54;
	v1 =	vadd.f32 v1, v2  }
0x153: {  	v59 =	vpop (erf)  }
0x154: {  	v60 =	vadd.f32 v58, v57;
	v1 =	vadd.f32 v56, v1;
	v61 =	vmul.f32 v59, v46  }
0x155: {  	vm0 =	vge.f32 v0, $0.0e+00  }
0x156: {  	v1 =	vadd.f32 v60, v1;
	v0 =	vsel vm0, v59, v61  }
0x157: {  	v0 =	vadd.f32 $1.000000010e-10, v0  }
0x158: {  	v1 =	vsub.f32 $5.000000000e+00, v1  }
0x159: {  	v62 =	vand.u32 $0x7FFFFF, v0  }
0x15a: {  	v63 =	vmul.f32 $1.000000000e+01, v1;
	v2 =	vor.u32 $0x3F800000, v62  }
0x15b: {  	v21 =	vmul.f32 $5.000000000e-01, v2  }
0x15c: {  	v22 =	vand.u32 $0x7FFFFFFF, v63;
	vm14 =	vgt.f32 v2, $1.414213540e+00  }
0x15d: {  	v23 =	vsub.f32 $0.0e+00, v22;
	v1 =	vsel vm14, v21, v2  }
0x15e: {  	v24 =	vadd.f32 $1.000000000e+00, v1  }
0x15f: {  	v34 =	vld [tilespmem:$0x3FD0];
	v2 =	vmul.f32 $1.442695020e+00, v23  }
0x160: {  	v35 =	vld [tilespmem:$0x4010];
	(erf) = vrcp.f32 v24  }
0x161: {  	v18 =	vld [tilespmem:$0x4090];
	(erf) = vpow2.f32 v2  }
0x162: {  	v19 =	vld [tilespmem:$0x40D0]  }
0x163: {  	v39 =	vld [tilespmem:$0x4110]  }
0x164: {  	v20 =	vld [tilespmem:$0x4150]  }
0x165: {  	v25 =	vld [tilespmem:$0x3D90]  }
0x166: {  	v26 =	vld [tilespmem:$0x3DD0]  }
0x167: {  	v27 =	vld [tilespmem:$0x3E10]  }
0x168: {  	v28 =	vld [tilespmem:$0x3E50]  }
0x169: {  	v29 =	vld [tilespmem:$0x3E90];
	v3 =	vpop (erf)  }
0x16a: {  	v30 =	vld [tilespmem:$0x3ED0];
	v36 =	vpop (erf)  }
0x16b: {  	v31 =	vld [tilespmem:$0x3F10];
	v38 =	vadd.f32 $1.000000000e+00, v36  }
0x16c: {  	v33 =	vld [tilespmem:$0x3F90]  }
0x16d: {  	v37 =	vld [tilespmem:$0x4050];
	(erf) = vrcp.f32 v38  }
0x16e: {  	v32 =	vld [tilespmem:$0x3F50];
	_ =	sdelay $0x1  }
0x16f: {  	v44 =	vadd.f32 v19, v18;
	v45 =	vadd.f32 v20, v39  }
0x170: {  	v5 =	vadd.f32 v26, v25;
	v40 =	vadd.f32 v30, v29  }
0x171: {  	v42 =	vadd.f32 v34, v33;
	v43 =	vadd.f32 v37, v35  }
0x172: {  	v41 =	vadd.f32 v32, v31;
	v2 =	vadd.f32 v28, v27  }
0x173: {  	v47 =	vadd.f32 v43, v42;
	v48 =	vadd.f32 v45, v44  }
0x174: {  	v46 =	vadd.f32 v41, v40;
	v2 =	vadd.f32 v2, v5  }
0x175: {  	v49 =	vpop (erf)  }
0x176: {  	v51 =	vadd.f32 v48, v47;
	v2 =	vadd.f32 v46, v2;
	v50 =	vmul.f32 v49, v36  }
0x177: {  	vm1 =	vge.f32 v63, $0.0e+00  }
0x178: {  	v5 =	vadd.f32 v51, v2;
	v4 =	vsel vm1, v49, v50  }
0x179: {  	v2 =	vadd.f32 $1.000000010e-10, v4  }
0x17a: {  	v52 =	vsub.f32 $1.000000000e+00, v5  }
0x17b: {  	v53 =	vand.u32 $0x7FFFFF, v2  }
0x17c: {  	v4 =	vmul.f32 $1.000000000e+01, v52;
	v5 =	vor.u32 $0x3F800000, v53  }
0x17d: {  	v54 =	vmul.f32 $5.000000000e-01, v5  }
0x17e: {  	v55 =	vand.u32 $0x7FFFFFFF, v4;
	vm15 =	vgt.f32 v5, $1.414213540e+00  }
0x17f: {  	v56 =	vsub.f32 $0.0e+00, v55;
	v5 =	vsel vm15, v54, v5  }
0x180: {  	v57 =	vadd.f32 $1.000000000e+00, v5  }
0x181: {  	v58 =	vld [tilespmem:$0x3990];
	v6 =	vmul.f32 $1.442695020e+00, v56  }
0x182: {  	v25 =	vld [tilespmem:$0x3B50];
	(erf) = vrcp.f32 v57  }
0x183: {  	v26 =	vld [tilespmem:$0x3B90];
	(erf) = vpow2.f32 v6  }
0x184: {  	v29 =	vld [tilespmem:$0x3C50]  }
0x185: {  	v31 =	vld [tilespmem:$0x3C90]  }
0x186: {  	v32 =	vld [tilespmem:$0x3D50]  }
0x187: {  	v60 =	vld [tilespmem:$0x3A10]  }
0x188: {  	v63 =	vld [tilespmem:$0x3AD0]  }
0x189: {  	v22 =	vld [tilespmem:$0x3CD0]  }
0x18a: {  	v59 =	vld [tilespmem:$0x39D0]  }
0x18b: {  	v61 =	vld [tilespmem:$0x3A50];
	v7 =	vpop (erf)  }
0x18c: {  	v62 =	vld [tilespmem:$0x3A90];
	v30 =	vpop (erf)  }
0x18d: {  	v23 =	vld [tilespmem:$0x3D10];
	v21 =	vadd.f32 $1.000000000e+00, v30  }
0x18e: {  	v24 =	vld [tilespmem:$0x3B10]  }
0x18f: {  	v27 =	vld [tilespmem:$0x3BD0];
	(erf) = vrcp.f32 v21  }
0x190: {  	v28 =	vld [tilespmem:$0x3C10];
	_ =	sdelay $0x1  }
0x191: {  	v37 =	vadd.f32 v22, v31;
	v8 =	vadd.f32 v59, v58  }
0x192: {  	v33 =	vadd.f32 v63, v62;
	v34 =	vadd.f32 v25, v24  }
0x193: {  	v35 =	vadd.f32 v27, v26;
	v38 =	vadd.f32 v32, v23  }
0x194: {  	v36 =	vadd.f32 v29, v28;
	v6 =	vadd.f32 v61, v60  }
0x195: {  	v39 =	vadd.f32 v34, v33;
	v41 =	vadd.f32 v38, v37  }
0x196: {  	v40 =	vadd.f32 v36, v35;
	v6 =	vadd.f32 v6, v8  }
0x197: {  	v42 =	vpop (erf)  }
0x198: {  	v43 =	vadd.f32 v41, v40;
	v6 =	vadd.f32 v39, v6;
	v44 =	vmul.f32 v42, v30  }
0x199: {  	vm2 =	vge.f32 v4, $0.0e+00  }
0x19a: {  	v6 =	vadd.f32 v43, v6;
	v4 =	vsel vm2, v42, v44  }
0x19b: {  	v4 =	vadd.f32 $1.000000010e-10, v4  }
0x19c: {  	v6 =	vsub.f32 $5.000000000e+00, v6  }
0x19d: {  	v45 =	vand.u32 $0x7FFFFF, v4  }
0x19e: {  	v6 =	vmul.f32 $1.000000000e+01, v6;
	v8 =	vor.u32 $0x3F800000, v45  }
0x19f: {  	v46 =	vmul.f32 $5.000000000e-01, v8  }
0x1a0: {  	v47 =	vand.u32 $0x7FFFFFFF, v6;
	vm9 =	vgt.f32 v8, $1.414213540e+00  }
0x1a1: {  	v48 =	vsub.f32 $0.0e+00, v47;
	v8 =	vsel vm9, v46, v8  }
0x1a2: {  	v49 =	vadd.f32 $1.000000000e+00, v8  }
0x1a3: {  	v58 =	vld [tilespmem:$0x3FA0];
	v9 =	vmul.f32 $1.442695020e+00, v48  }
0x1a4: {  	v59 =	vld [tilespmem:$0x3FE0];
	(erf) = vrcp.f32 v49  }
0x1a5: {  	v62 =	vld [tilespmem:$0x4060];
	(erf) = vpow2.f32 v9  }
0x1a6: {  	v24 =	vld [tilespmem:$0x40A0]  }
0x1a7: {  	v25 =	vld [tilespmem:$0x40E0]  }
0x1a8: {  	v26 =	vld [tilespmem:$0x4160]  }
0x1a9: {  	v51 =	vld [tilespmem:$0x3DE0]  }
0x1aa: {  	v28 =	vld [tilespmem:$0x4120]  }
0x1ab: {  	v50 =	vld [tilespmem:$0x3DA0]  }
0x1ac: {  	v52 =	vld [tilespmem:$0x3E20]  }
0x1ad: {  	v53 =	vld [tilespmem:$0x3E60];
	v9 =	vpop (erf)  }
0x1ae: {  	v55 =	vld [tilespmem:$0x3EE0];
	v61 =	vpop (erf)  }
0x1af: {  	v56 =	vld [tilespmem:$0x3F20];
	v63 =	vadd.f32 $1.000000000e+00, v61  }
0x1b0: {  	v54 =	vld [tilespmem:$0x3EA0]  }
0x1b1: {  	v57 =	vld [tilespmem:$0x3F60];
	(erf) = vrcp.f32 v63  }
0x1b2: {  	v60 =	vld [tilespmem:$0x4020];
	_ =	sdelay $0x1  }
0x1b3: {  	v34 =	vadd.f32 v25, v24;
	v32 =	vadd.f32 v59, v58  }
0x1b4: {  	v35 =	vadd.f32 v26, v28;
	v10 =	vadd.f32 v51, v50  }
0x1b5: {  	v29 =	vadd.f32 v53, v52;
	v31 =	vadd.f32 v57, v56  }
0x1b6: {  	v33 =	vadd.f32 v62, v60;
	v30 =	vadd.f32 v55, v54  }
0x1b7: {  	v38 =	vadd.f32 v35, v34;
	v10 =	vadd.f32 v29, v10  }
0x1b8: {  	v37 =	vadd.f32 v33, v32;
	v36 =	vadd.f32 v31, v30  }
0x1b9: {  	v39 =	vpop (erf)  }
0x1ba: {  	v41 =	vadd.f32 v38, v37;
	v10 =	vadd.f32 v36, v10;
	v40 =	vmul.f32 v39, v61  }
0x1bb: {  	vm3 =	vge.f32 v6, $0.0e+00  }
0x1bc: {  	v10 =	vadd.f32 v41, v10;
	v6 =	vsel vm3, v39, v40  }
0x1bd: {  	v6 =	vadd.f32 $1.000000010e-10, v6  }
0x1be: {  	v10 =	vsub.f32 $1.000000000e+00, v10  }
0x1bf: {  	v42 =	vand.u32 $0x7FFFFF, v6  }
0x1c0: {  	v10 =	vmul.f32 $1.000000000e+01, v10;
	v11 =	vor.u32 $0x3F800000, v42  }
0x1c1: {  	v43 =	vmul.f32 $5.000000000e-01, v11  }
0x1c2: {  	v44 =	vand.u32 $0x7FFFFFFF, v10;
	vm10 =	vgt.f32 v11, $1.414213540e+00  }
0x1c3: {  	v45 =	vsub.f32 $0.0e+00, v44;
	v11 =	vsel vm10, v43, v11  }
0x1c4: {  	v46 =	vadd.f32 $1.000000000e+00, v11  }
0x1c5: {  	v58 =	vld [tilespmem:$0x3C60];
	v12 =	vmul.f32 $1.442695020e+00, v45  }
0x1c6: {  	v28 =	vld [tilespmem:$0x3CE0];
	(erf) = vrcp.f32 v46  }
0x1c7: {  	v50 =	vld [tilespmem:$0x3A60];
	(erf) = vpow2.f32 v12  }
0x1c8: {  	v51 =	vld [tilespmem:$0x3AA0]  }
0x1c9: {  	v52 =	vld [tilespmem:$0x3AE0]  }
0x1ca: {  	v53 =	vld [tilespmem:$0x3B20]  }
0x1cb: {  	v29 =	vld [tilespmem:$0x3D20]  }
0x1cc: {  	v56 =	vld [tilespmem:$0x3BE0]  }
0x1cd: {  	v57 =	vld [tilespmem:$0x3C20]  }
0x1ce: {  	v60 =	vld [tilespmem:$0x3CA0]  }
0x1cf: {  	v47 =	vld [tilespmem:$0x39A0];
	v12 =	vpop (erf)  }
0x1d0: {  	v48 =	vld [tilespmem:$0x39E0];
	v59 =	vpop (erf)  }
0x1d1: {  	v54 =	vld [tilespmem:$0x3B60];
	v27 =	vadd.f32 $1.000000000e+00, v59  }
0x1d2: {  	v55 =	vld [tilespmem:$0x3BA0]  }
0x1d3: {  	v49 =	vld [tilespmem:$0x3A20];
	(erf) = vrcp.f32 v27  }
0x1d4: {  	v61 =	vld [tilespmem:$0x3D60];
	_ =	sdelay $0x1  }
0x1d5: {  	v32 =	vadd.f32 v58, v57;
	v33 =	vadd.f32 v28, v60  }
0x1d6: {  	v13 =	vadd.f32 v48, v47;
	v30 =	vadd.f32 v54, v53  }
0x1d7: {  	v31 =	vadd.f32 v56, v55;
	v62 =	vadd.f32 v50, v49  }
0x1d8: {  	v63 =	vadd.f32 v52, v51;
	v34 =	vadd.f32 v61, v29  }
0x1d9: {  	v36 =	vadd.f32 v32, v31;
	v13 =	vadd.f32 v62, v13  }
0x1da: {  	v35 =	vadd.f32 v30, v63;
	v37 =	vadd.f32 v34, v33  }
0x1db: {  	v38 =	vpop (erf)  }
0x1dc: {  	v13 =	vadd.f32 v35, v13;
	v39 =	vadd.f32 v37, v36;
	v40 =	vmul.f32 v38, v59  }
0x1dd: {  	vm4 =	vge.f32 v10, $0.0e+00  }
0x1de: {  	v13 =	vadd.f32 v39, v13;
	v10 =	vsel vm4, v38, v40  }
0x1df: {  	v10 =	vadd.f32 $1.000000010e-10, v10  }
0x1e0: {  	v13 =	vsub.f32 $5.000000000e+00, v13  }
0x1e1: {  	v41 =	vand.u32 $0x7FFFFF, v10  }
0x1e2: {  	v13 =	vmul.f32 $1.000000000e+01, v13;
	v14 =	vor.u32 $0x3F800000, v41  }
0x1e3: {  	v42 =	vmul.f32 $5.000000000e-01, v14  }
0x1e4: {  	v43 =	vand.u32 $0x7FFFFFFF, v13;
	vm11 =	vgt.f32 v14, $1.414213540e+00  }
0x1e5: {  	v44 =	vsub.f32 $0.0e+00, v43;
	v14 =	vsel vm11, v42, v14  }
0x1e6: {  	v45 =	vadd.f32 $1.000000000e+00, v14  }
0x1e7: {  	v58 =	vld [tilespmem:$0x4070];
	v15 =	vmul.f32 $1.442695020e+00, v44  }
0x1e8: {  	v60 =	vld [tilespmem:$0x4130];
	(erf) = vrcp.f32 v45  }
0x1e9: {  	v47 =	vld [tilespmem:$0x3DF0];
	(erf) = vpow2.f32 v15  }
0x1ea: {  	v48 =	vld [tilespmem:$0x3E30]  }
0x1eb: {  	v53 =	vld [tilespmem:$0x3F70]  }
0x1ec: {  	v54 =	vld [tilespmem:$0x3FB0]  }
0x1ed: {  	v55 =	vld [tilespmem:$0x3FF0]  }
0x1ee: {  	v56 =	vld [tilespmem:$0x4030]  }
0x1ef: {  	v31 =	vld [tilespmem:$0x40F0]  }
0x1f0: {  	v32 =	vld [tilespmem:$0x4170]  }
0x1f1: {  	v49 =	vld [tilespmem:$0x3E70];
	v15 =	vpop (erf)  }
0x1f2: {  	v50 =	vld [tilespmem:$0x3EB0];
	v57 =	vpop (erf)  }
0x1f3: {  	v51 =	vld [tilespmem:$0x3EF0];
	v59 =	vadd.f32 $1.000000000e+00, v57  }
0x1f4: {  	v52 =	vld [tilespmem:$0x3F30]  }
0x1f5: {  	v30 =	vld [tilespmem:$0x40B0];
	(erf) = vrcp.f32 v59  }
0x1f6: {  	v46 =	vld [tilespmem:$0x3DB0];
	_ =	sdelay $0x1  }
0x1f7: {  	v25 =	vadd.f32 v55, v54;
	v28 =	vadd.f32 v58, v56  }
0x1f8: {  	v62 =	vadd.f32 v51, v50;
	v63 =	vadd.f32 v53, v52  }
0x1f9: {  	v30 =	vadd.f32 v31, v30;
	v31 =	vadd.f32 v32, v60  }
0x1fa: {  	v61 =	vadd.f32 v49, v48;
	v16 =	vadd.f32 v47, v46  }
0x1fb: {  	v32 =	vadd.f32 v63, v62;
	v33 =	vadd.f32 v28, v25  }
0x1fc: {  	v34 =	vadd.f32 v31, v30;
	v16 =	vadd.f32 v61, v16  }
0x1fd: {  	v35 =	vpop (erf)  }
0x1fe: {  	v37 =	vadd.f32 v34, v33;
	v16 =	vadd.f32 v32, v16;
	v36 =	vmul.f32 v35, v57  }
0x1ff: {  	vm5 =	vge.f32 v13, $0.0e+00  }
0x200: {  	v16 =	vadd.f32 v37, v16;
	v13 =	vsel vm5, v35, v36  }
0x201: {  	v13 =	vadd.f32 $1.000000010e-10, v13  }
0x202: {  	v16 =	vsub.f32 $1.000000000e+00, v16  }
0x203: {  	v38 =	vand.u32 $0x7FFFFF, v13  }
0x204: {  	v16 =	vmul.f32 $1.000000000e+01, v16;
	v17 =	vor.u32 $0x3F800000, v38  }
0x205: {  	v39 =	vmul.f32 $5.000000000e-01, v17  }
0x206: {  	v40 =	vand.u32 $0x7FFFFFFF, v16;
	vm12 =	vgt.f32 v17, $1.414213540e+00  }
0x207: {  	v41 =	vsub.f32 $0.0e+00, v40;
	v17 =	vsel vm12, v39, v17  }
0x208: {  	v42 =	vadd.f32 $1.000000000e+00, v17  }
0x209: {  	v54 =	vld [tilespmem:$0x3C70];
	v18 =	vmul.f32 $1.442695020e+00, v41  }
0x20a: {  	v56 =	vld [tilespmem:$0x3CB0];
	(erf) = vrcp.f32 v42  }
0x20b: {  	v50 =	vld [tilespmem:$0x3B70];
	(erf) = vpow2.f32 v18  }
0x20c: {  	v51 =	vld [tilespmem:$0x3BB0]  }
0x20d: {  	v52 =	vld [tilespmem:$0x3BF0]  }
0x20e: {  	v53 =	vld [tilespmem:$0x3C30]  }
0x20f: {  	v48 =	vld [tilespmem:$0x3AF0]  }
0x210: {  	v49 =	vld [tilespmem:$0x3B30]  }
0x211: {  	v34 =	vld [tilespmem:$0x3CF0]  }
0x212: {  	v46 =	vld [tilespmem:$0x3A70]  }
0x213: {  	v47 =	vld [tilespmem:$0x3AB0];
	v28 =	vpop (erf)  }
0x214: {  	v43 =	vld [tilespmem:$0x39B0];
	v55 =	vpop (erf)  }
0x215: {  	v44 =	vld [tilespmem:$0x39F0];
	v33 =	vadd.f32 $1.000000000e+00, v55  }
0x216: {  	v45 =	vld [tilespmem:$0x3A30]  }
0x217: {  	v57 =	vld [tilespmem:$0x3D70];
	(erf) = vrcp.f32 v33  }
0x218: {  	v35 =	vld [tilespmem:$0x3D30];
	_ =	sdelay $0x1  }
0x219: {  	v60 =	vadd.f32 v52, v51;
	v62 =	vadd.f32 v34, v56  }
0x21a: {  	v61 =	vadd.f32 v54, v53;
	v58 =	vadd.f32 v48, v47  }
0x21b: {  	v19 =	vadd.f32 v44, v43;
	v59 =	vadd.f32 v50, v49  }
0x21c: {  	v63 =	vadd.f32 v57, v35;
	v18 =	vadd.f32 v46, v45  }
0x21d: {  	v30 =	vadd.f32 v61, v60;
	v29 =	vadd.f32 v59, v58  }
0x21e: {  	v32 =	vadd.f32 v63, v62;
	v18 =	vadd.f32 v18, v19  }
0x21f: {  	v33 =	vpop (erf)  }
0x220: {  	v34 =	vadd.f32 v32, v30;
	v18 =	vadd.f32 v29, v18;
	v35 =	vmul.f32 v33, v55  }
0x221: {  	vm6 =	vge.f32 v16, $0.0e+00  }
0x222: {  	v18 =	vadd.f32 v34, v18;
	v16 =	vsel vm6, v33, v35  }
0x223: {  	v16 =	vadd.f32 $1.000000010e-10, v16  }
0x224: {  	v18 =	vsub.f32 $5.000000000e+00, v18  }
0x225: {  	v36 =	vand.u32 $0x7FFFFF, v16  }
0x226: {  	v18 =	vmul.f32 $1.000000000e+01, v18;
	v19 =	vor.u32 $0x3F800000, v36  }
0x227: {  	v37 =	vmul.f32 $5.000000000e-01, v19  }
0x228: {  	v38 =	vand.u32 $0x7FFFFFFF, v18;
	vm13 =	vgt.f32 v19, $1.414213540e+00  }
0x229: {  	v39 =	vsub.f32 $0.0e+00, v38;
	v19 =	vsel vm13, v37, v19  }
0x22a: {  	v40 =	vadd.f32 $1.000000000e+00, v19  }
0x22b: {  	v20 =	vmul.f32 $1.442695020e+00, v39  }
0x22c: {  	(erf) = vrcp.f32 v40  }
0x22d: {  	(erf) = vpow2.f32 v20;
	_ =	sdelay $0x7  }
0x22e: {  	v20 =	vpop (erf)  }
0x22f: {  	v41 =	vpop (erf)  }
0x230: {  	v42 =	vadd.f32 $1.000000000e+00, v41;
	_ =	sdelay $0x1  }
0x231: {  	(erf) = vrcp.f32 v42  }
0x232: {  	v1 =	vadd.f32 $-1.000000000e+00, v1  }
0x233: {  	v5 =	vadd.f32 $-1.000000000e+00, v5  }
0x234: {  	v0 =	vshra.s32 v0, $0x17;
	v1 =	vmul.f32 v3, v1;
	v23 =	vimm.s32 $0xFFFFFF81  }
0x235: {  	v5 =	vmul.f32 v7, v5;
	v6 =	vshra.s32 v6, $0x17;
	v51 =	vsel vm10, $0xFFFFFF82, v23  }
0x236: {  	v6 =	vadd.s32 v6, v51;
	v47 =	vsel vm14, $0xFFFFFF82, v23;
	v43 =	vmul.f32 v1, v1  }
0x237: {  	v8 =	vadd.f32 $-1.000000000e+00, v8;
	v6 =	vcvt.s32.f32 v6;
	v0 =	vadd.s32 v0, v47  }
0x238: {  	v2 =	vshra.s32 v2, $0x17;
	v0 =	vcvt.s32.f32 v0;
	v44 =	vmul.f32 $2.857142980e-01, v43  }
0x239: {  	v4 =	vshra.s32 v4, $0x17;
	v8 =	vmul.f32 v9, v8;
	v6 =	vmul.f32 $6.931471820e-01, v6  }
0x23a: {  	v0 =	vmul.f32 $6.931471820e-01, v0;
	v10 =	vshra.s32 v10, $0x17;
	v45 =	vadd.f32 $4.000000060e-01, v44;
	v53 =	vpop (erf)  }
0x23b: {  	v52 =	vsel vm11, $0xFFFFFF82, v23;
	v46 =	vmul.f32 v5, v5;
	v3 =	vmul.f32 v53, v41  }
0x23c: {  	v10 =	vadd.s32 v10, v52;
	v7 =	vmul.f32 v45, v43;
	vm14 =	vge.f32 v18, $0.0e+00  }
0x23d: {  	v14 =	vadd.f32 $-1.000000000e+00, v14;
	v48 =	vmul.f32 $2.857142980e-01, v46;
	v3 =	vsel vm14, v53, v3  }
0x23e: {  	v52 =	vcvt.s32.f32 v10;
	v7 =	vadd.f32 $6.666666860e-01, v7;
	v3 =	vadd.f32 $1.000000010e-10, v3  }
0x23f: {  	v14 =	vmul.f32 v15, v14;
	v49 =	vsel vm15, $0xFFFFFF82, v23;
	v25 =	vadd.f32 $4.000000060e-01, v48  }
0x240: {  	v50 =	vsel vm9, $0xFFFFFF82, v23;
	v7 =	vmul.f32 v7, v43;
	v61 =	vand.u32 $0x7FFFFF, v3  }
0x241: {  	v57 =	vmul.f32 v8, v8;
	v54 =	vmul.f32 v25, v46;
	v62 =	vor.u32 $0x3F800000, v61  }
0x242: {  	v58 =	vadd.f32 $-1.000000000e+00, v11;
	v7 =	vadd.f32 $2.000000000e+00, v7;
	v21 =	vmul.f32 $5.000000000e-01, v62  }
0x243: {  	v60 =	vmul.f32 $2.857142980e-01, v57;
	v56 =	vadd.f32 $6.666666860e-01, v54;
	vm15 =	vgt.f32 v62, $1.414213540e+00  }
0x244: {  	v1 =	vmul.f32 v7, v1;
	v7 =	vmul.f32 v12, v58;
	v12 =	vsel vm15, v21, v62  }
0x245: {  	v2 =	vadd.s32 v2, v49;
	v4 =	vadd.s32 v4, v50;
	v33 =	vadd.f32 $1.000000000e+00, v12  }
0x246: {  	v2 =	vcvt.s32.f32 v2;
	v59 =	vmul.f32 v56, v46;
	v18 =	vadd.f32 $4.000000060e-01, v60  }
0x247: {  	v4 =	vcvt.s32.f32 v4;
	(erf) = vrcp.f32 v33  }
0x248: {  	v2 =	vmul.f32 $6.931471820e-01, v2;
	v11 =	vadd.f32 $2.000000000e+00, v59;
	v18 =	vmul.f32 v18, v57  }
0x249: {  	v4 =	vmul.f32 $6.931471820e-01, v4;
	v63 =	vmul.f32 v7, v7  }
0x24a: {  	v5 =	vmul.f32 v11, v5;
	v34 =	vadd.f32 $6.666666860e-01, v18;
	v37 =	vmul.f32 v14, v14  }
0x24b: {  	v17 =	vadd.f32 $-1.000000000e+00, v17;
	v0 =	vadd.f32 v1, v0;
	v32 =	vmul.f32 $2.857142980e-01, v63  }
0x24c: {  	v2 =	vadd.f32 v5, v2;
	v36 =	vmul.f32 v34, v57;
	v38 =	vmul.f32 $2.857142980e-01, v37  }
0x24d: {  	v13 =	vshra.s32 v13, $0x17;
	v35 =	vadd.f32 $4.000000060e-01, v32;
	v42 =	vadd.f32 $-1.000000000e+00, v19  }
0x24e: {  	v17 =	vmul.f32 v28, v17;
	v1 =	vadd.f32 $2.000000000e+00, v36;
	v39 =	vadd.f32 $4.000000060e-01, v38  }
0x24f: {  	v15 =	vmul.f32 v35, v63;
	v45 =	vmul.f32 v20, v42;
	v12 =	vadd.f32 $-1.000000000e+00, v12  }
0x250: {  	v55 =	vsel vm12, $0xFFFFFF82, v23;
	v1 =	vmul.f32 v1, v8;
	v8 =	vmul.f32 v39, v37;
	v46 =	vpop (erf)  }
0x251: {  	v9 =	vadd.s32 v13, v55;
	v48 =	vmul.f32 v45, v45;
	v12 =	vmul.f32 v46, v12  }
0x252: {  	v54 =	vshra.s32 v16, $0x17;
	v15 =	vadd.f32 $6.666666860e-01, v15;
	v41 =	vmul.f32 v17, v17  }
0x253: {  	v44 =	vadd.f32 $6.666666860e-01, v8;
	v49 =	vmul.f32 $2.857142980e-01, v48;
	v18 =	vmul.f32 v12, v12  }
0x254: {  	v40 =	vmul.f32 v15, v63;
	v1 =	vadd.f32 v1, v4;
	v43 =	vmul.f32 $2.857142980e-01, v41  }
0x255: {  	v4 =	vmul.f32 v44, v37;
	v19 =	vadd.f32 $4.000000060e-01, v49;
	v50 =	vmul.f32 $2.857142980e-01, v18  }
0x256: {  	v31 =	vsel vm13, $0xFFFFFF82, v23;
	v5 =	vadd.f32 $2.000000000e+00, v40;
	v47 =	vadd.f32 $4.000000060e-01, v43  }
0x257: {  	v4 =	vadd.f32 $2.000000000e+00, v4;
	v53 =	vmul.f32 v19, v48;
	v51 =	vadd.f32 $4.000000060e-01, v50  }
0x258: {  	v13 =	vadd.s32 v54, v31;
	v5 =	vmul.f32 v5, v7;
	v7 =	vmul.f32 v47, v41  }
0x259: {  	v4 =	vmul.f32 v4, v14;
	v10 =	vadd.f32 $6.666666860e-01, v53;
	v14 =	vmul.f32 v51, v18  }
0x25a: {  	v9 =	vcvt.s32.f32 v9;
	v57 =	vcvt.s32.f32 v13;
	v7 =	vadd.f32 $6.666666860e-01, v7  }
0x25b: {  	v5 =	vadd.f32 v5, v6;
	v10 =	vmul.f32 v10, v48;
	v14 =	vadd.f32 $6.666666860e-01, v14  }
0x25c: {  	v6 =	vmul.f32 $6.931471820e-01, v52;
	v3 =	vshra.s32 v3, $0x17;
	v7 =	vmul.f32 v7, v41  }
0x25d: {  	v55 =	vsel vm15, $0xFFFFFF82, v23;
	v56 =	vadd.f32 $2.000000000e+00, v10;
	v14 =	vmul.f32 v14, v18  }
0x25e: {  	[tilespmem:$0x4180] =	vst v0;
	v61 =	vmul.f32 $6.931471820e-01, v57;
	v3 =	vadd.s32 v3, v55;
	v7 =	vadd.f32 $2.000000000e+00, v7  }
0x25f: {  	[tilespmem:$0x41C0] =	vst v2;
	v3 =	vcvt.s32.f32 v3;
	v0 =	vmul.f32 v56, v45;
	v59 =	vadd.f32 $2.000000000e+00, v14  }
0x260: {  	v58 =	vmul.f32 $6.931471820e-01, v9;
	[tilespmem:$0x4190] =	vst v1;
	v60 =	vadd.f32 v4, v6;
	v7 =	vmul.f32 v7, v17  }
0x261: {  	s24 =	sshll.u32 s1, $0x7;
	[tilespmem:$0x41D0] =	vst v5;
	v3 =	vmul.f32 $6.931471820e-01, v3;
	v0 =	vadd.f32 v0, v61;
	v62 =	vmul.f32 v59, v12  }
0x262: {  	s3 =	sand.u32 $0x40, s3;
	s25 =	sand.u32 $0x700, s24;
	[tilespmem:$0x41A0] =	vst v60;
	v2 =	vadd.f32 v7, v58  }
0x263: {  	s5 =	sor.u32 s3, s25;
	[tilespmem:$0x41B0] =	vst v0;
	v63 =	vadd.f32 v62, v3  }
0x264: {  	s26 =	simm.s32 $0x0;
	s3 =	sor.u32 s24, s3;
	s5 =	sshrl.u32 s5, $0x3;
	[tilespmem:$0x41E0] =	vst v2  }
0x265: {  	s28 =	simm.s32 $0x4180;
	s29 =	simm.s32 $0x2;
	s5 =	sadd.s32 s2, s5;
	[tilespmem:$0x41F0] =	vst v63  }
0x266: {  	[hbm4b:s5+s26] =	stream.linear.scatter [tilespmem:s28], [sflag:$0x2], $0x40, $0x38;
	[tilespmem:$0x4200] =	vst v63  }
0x267: {  	s3 =	sshrl.u32 s3, $0x3;
	_ =	swait.ge [sflag:s29], $0x40  }
0x268: {  	s3 =	sor.u32 $0x10, s3;
	[sflag:s29] =	ssyncset.done $0x0  }
0x269: {  	s30 =	sadd.s32 s2, s3;
	s31 =	simm.s32 $0x41C0;
	[sflag:s29] =	ssyncadd.s32 $0xFFFFFFC0  }
0x26a: {  	[hbm4b:s30+s26] =	stream.linear.scatter [tilespmem:s31], [sflag:$0x2], $0x40, $0x38;
	[tilespmem:$0x4200] =	vst v63  }
0x26b: {  	_ =	swait.ge [sflag:s29], $0x40  }
0x26c: {  	[sflag:s29] =	ssyncset.done $0x0  }
0x26d: {  	[sflag:s29] =	ssyncadd.s32 $0xFFFFFFC0  }
0x26e: {  	_ =	sfence.sel $0x180000  }
0x26f: {  	[bflag:$0x0] =	sbarrier.arrive $0xFFFF  }
0x270: {  	p0 =	sne.s32 s1, $0x0;
	_ =	strace $0x90000047  }
0x271: {  	s0 =	sadd.s32 @!p0 $0x100000, s0;
	[bflag:$0x2] =	sbarrier.arrive $0xFFFF  }
0x272: {  	[sflag:s0] =	ssyncadd.tile.s32 @!p0 $0x1;
	_ =	shalt  }
.Lfunc_end2:
_tile_overlayer_lowered:
.L_overlay_start_2:
0x273: {  	(tag) =	ssettag $0x2  }
0x274: {  	s0 =	rddreg [dreg:$0x0];
	s2 =	stileid.u32  }
0x275: {  	s1 =	rddreg [dreg:$0x1];
	p0 =	sne.s32 s2, $0x0  }
0x276: {  	s3 =	rddreg [dreg:$0x2];
	[bflag:$0x3] =	sbarrier.arrive $0xFFFF;
	s2 =	simm.s32 @!p0 $0x1C02  }
0x277: {  	[timem:s3], [sflag:s2] =	dma.local @!p0 [hbm:s0], s1  }
0x278: {  	s0 =	simm.s32 @!p0 $0x2  }
0x279: {  	_ =	swait.ge @!p0 [sflag:s0], s1  }
0x27a: {  	s1 =	ssub.s32 @!p0 $0x0, s1;
	[sflag:s0] =	ssyncset.done @!p0 $0x0  }
0x27b: {  	[sflag:s0] =	ssyncadd.s32 @!p0 s1  }
0x27c: {  	[bflag:$0x3] =	sbarrier.arrive $0xFFFF  }
0x27d: {  	_ =	shalt  }

</sc_bundles>
